<compile_context>
chip_gen: v7x
topology: tpu7x:2x2x1
jax: 0.10.2.dev20260603
libtpu: 0.0.44.dev20260713+nightly
codegen_flags: <defaults>
</compile_context>

<pallas_src>
import functools

import jax
import jax.numpy as jnp
from jax import lax
from jax.experimental import pallas as pl
from jax.experimental.pallas import tpu as pltpu
from jax.experimental.pallas import tpu_sc as plsc

_N = 10000
_E = 160000
_D_IN = 256
_D_OUT = 64
_MAX_DEG = 10
_NBANK = _MAX_DEG + 1
_N_GRAPHS = 128
_EPS = 1e-5

_NC = 2
_NS = 16
_NW = _NC * _NS

_NP = 10112
_ROWS = 512
_N_PAD = 10240
_DH = 128

_EPT = 5120
_E_PAD = _NW * _EPT
_CW2 = 64
_ECH2 = (_E_PAD // _NS) // _CW2

_mesh = functools.partial(plsc.VectorSubcoreMesh,
                          core_axis_name="c", subcore_axis_name="s")
_SC_PARAMS = pltpu.CompilerParams(needs_layout_passes=False)
_HI = lax.Precision.HIGHEST


def _wid():
    return lax.axis_index("s") * _NC + lax.axis_index("c")


def _counts_body(dst_hbm, zeros_hbm, cnt_out, cnt_v, dst_v):
    wid = _wid()
    pltpu.sync_copy(zeros_hbm, cnt_v)
    pltpu.sync_copy(dst_hbm.at[pl.ds(wid * _EPT, _EPT)], dst_v)
    ones = jnp.full((16,), 1, jnp.int32)

    def body(i, carry):
        d = dst_v[pl.ds(i * 16, 16)]
        plsc.addupdate_scatter(cnt_v, [d], ones)
        return carry

    lax.fori_loop(0, _EPT // 16, body, 0)
    pltpu.sync_copy(cnt_v, cnt_out.at[wid])


def _sc_counts(dst_pad, zeros_np_i32):
    return pl.kernel(
        _counts_body,
        out_type=jax.ShapeDtypeStruct((_NW, _NP), jnp.int32),
        mesh=_mesh(),
        scratch_types=[
            pltpu.VMEM((_NP,), jnp.int32),
            pltpu.VMEM((_EPT,), jnp.int32),
        ],
        compiler_params=_SC_PARAMS,
    )(dst_pad, zeros_np_i32)


def _deg_body(cnt_ref, deg_ref):
    c = cnt_ref[...]
    s = jnp.sum(c, axis=0, keepdims=True)
    deg_ref[...] = jnp.minimum(s, _MAX_DEG)


def _deg_reduce(counts):
    return pl.pallas_call(
        _deg_body,
        grid=(1,),
        in_specs=[pl.BlockSpec((_NW, _NP), lambda i: (0, 0))],
        out_specs=pl.BlockSpec((1, _NP), lambda i: (0, 0)),
        out_shape=jax.ShapeDtypeStruct((1, _NP), jnp.int32),
    )(counts)


def _hsum_body(table_hbm, src2_hbm, dst2_hbm, zeros_hbm,
               acc_out, src_v, dst_v, idxr0, idxr1, buf0, buf1, acc_sh,
               sem0, sem1):
    c = lax.axis_index("c")
    s = lax.axis_index("s")
    pltpu.sync_copy(src2_hbm.at[s], src_v)
    pltpu.sync_copy(dst2_hbm.at[s], dst_v)
    rows_per_tile = _NP // _NS
    pltpu.sync_copy(zeros_hbm, acc_sh.at[pl.ds(s * rows_per_tile, rows_per_tile)])
    plsc.subcore_barrier()

    def cidx(j, idxr):
        for k in range(_CW2 // 16):
            s16 = src_v[pl.ds(j * _CW2 + k * 16, 16)]
            idxr[0, pl.ds(k * 16, 16)] = s16 * 2 + c

    cidx(0, idxr0)
    pltpu.async_copy(table_hbm.at[idxr0.at[0]], buf0, sem0)

    def body(jj, carry):
        j0 = 2 * jj
        cidx(j0 + 1, idxr1)
        pltpu.async_copy(table_hbm.at[idxr1.at[0]], buf1, sem1)
        pltpu.make_async_copy(table_hbm.at[idxr0.at[0]], buf0, sem0).wait()
        pltpu.sync_copy(buf0, acc_sh.at[dst_v.at[j0]], add=True)
        cidx(j0 + 2, idxr0)
        pltpu.async_copy(table_hbm.at[idxr0.at[0]], buf0, sem0)
        pltpu.make_async_copy(table_hbm.at[idxr1.at[0]], buf1, sem1).wait()
        pltpu.sync_copy(buf1, acc_sh.at[dst_v.at[j0 + 1]], add=True)
        return carry

    lax.fori_loop(0, _ECH2 // 2 - 1, body, 0)
    jl = _ECH2 - 2
    cidx(jl + 1, idxr1)
    pltpu.async_copy(table_hbm.at[idxr1.at[0]], buf1, sem1)
    pltpu.make_async_copy(table_hbm.at[idxr0.at[0]], buf0, sem0).wait()
    pltpu.sync_copy(buf0, acc_sh.at[dst_v.at[jl]], add=True)
    pltpu.make_async_copy(table_hbm.at[idxr1.at[0]], buf1, sem1).wait()
    pltpu.sync_copy(buf1, acc_sh.at[dst_v.at[jl + 1]], add=True)
    plsc.subcore_barrier()
    pltpu.sync_copy(acc_sh.at[pl.ds(s * rows_per_tile, rows_per_tile)],
                    acc_out.at[c, pl.ds(s * rows_per_tile, rows_per_tile)])


def _sc_hsum(table, src2, dst2, zeros_rows):
    return pl.kernel(
        _hsum_body,
        out_type=jax.ShapeDtypeStruct((_NC, _NP, _DH), jnp.float32),
        mesh=_mesh(),
        scratch_types=[
            pltpu.VMEM((_E_PAD // _NS,), jnp.int32),
            pltpu.VMEM((_ECH2, _CW2), jnp.int32),
            pltpu.VMEM((1, _CW2), jnp.int32),
            pltpu.VMEM((1, _CW2), jnp.int32),
            pltpu.VMEM((_CW2, _DH), jnp.float32),
            pltpu.VMEM((_CW2, _DH), jnp.float32),
            pltpu.VMEM_SHARED((_NP, _DH), jnp.float32),
            pltpu.SemaphoreType.DMA,
            pltpu.SemaphoreType.DMA,
        ],
        compiler_params=_SC_PARAMS,
    )(table, src2, dst2, zeros_rows)


_RB3 = 128


def _mfconv_body(x_ref, h_ref, deg_ref, wl_ref, wr_ref, out_ref):
    x = x_ref[...]
    h = jnp.concatenate([h_ref[0], h_ref[1]], axis=1)
    deg = deg_ref[...]
    yl = jax.lax.dot_general(h, wl_ref[...], (((1,), (1,)), ((), ())),
                             preferred_element_type=jnp.float32)
    yr = jax.lax.dot_general(x, wr_ref[...], (((1,), (1,)), ((), ())),
                             preferred_element_type=jnp.float32)
    y = yl + yr
    acc = jnp.zeros((x.shape[0], _D_OUT), jnp.float32)
    for i in range(_NBANK):
        acc = jnp.where(deg == i, y[:, i * _D_OUT:(i + 1) * _D_OUT], acc)
    out_ref[...] = jnp.maximum(acc, 0.0)


def _mfconv(x_np, hacc, degc_col, wl_flat, wr_flat):
    return pl.pallas_call(
        _mfconv_body,
        grid=(_NP // _RB3,),
        in_specs=[
            pl.BlockSpec((_RB3, _D_IN), lambda i: (i, 0)),
            pl.BlockSpec((_NC, _RB3, _DH), lambda i: (0, i, 0)),
            pl.BlockSpec((_RB3, 1), lambda i: (i, 0)),
            pl.BlockSpec((_NBANK * _D_OUT, _D_IN), lambda i: (0, 0)),
            pl.BlockSpec((_NBANK * _D_OUT, _D_IN), lambda i: (0, 0)),
        ],
        out_specs=pl.BlockSpec((_RB3, _D_OUT), lambda i: (i, 0)),
        out_shape=jax.ShapeDtypeStruct((_NP, _D_OUT), jnp.float32),
    )(x_np, hacc, degc_col, wl_flat, wr_flat)


def _bn1_body(pre_ref, g_ref, b_ref, out_ref):
    a = pre_ref[...]
    valid = lax.broadcasted_iota(jnp.int32, (_NP, _D_OUT), 0) < _N
    a = jnp.where(valid, a, 0.0)
    mean = jnp.sum(a, axis=0, keepdims=True) / _N
    var = jnp.sum(a * a, axis=0, keepdims=True) / _N - mean * mean
    scale = g_ref[...] * lax.rsqrt(var + _EPS)
    shift = b_ref[...] - mean * scale
    abn = a * scale + shift
    abn = jnp.where(valid, abn, 0.0)
    io = lax.broadcasted_iota(jnp.int32, (_D_OUT, _D_OUT), 0)
    jo = lax.broadcasted_iota(jnp.int32, (_D_OUT, _D_OUT), 1)
    eye = (io == jo).astype(jnp.float32)
    out_ref[...] = jax.lax.dot_general(eye, abn, (((1,), (1,)), ((), ())),
                                       preferred_element_type=jnp.float32,
                                       precision=_HI)


def _bn1_t(pre, g1, b1):
    return pl.pallas_call(
        _bn1_body,
        grid=(1,),
        in_specs=[
            pl.BlockSpec((_NP, _D_OUT), lambda i: (0, 0)),
            pl.BlockSpec((1, _D_OUT), lambda i: (0, 0)),
            pl.BlockSpec((1, _D_OUT), lambda i: (0, 0)),
        ],
        out_specs=pl.BlockSpec((_D_OUT, _NP), lambda i: (0, 0)),
        out_shape=jax.ShapeDtypeStruct((_D_OUT, _NP), jnp.float32),
    )(pre, g1, b1)


_CS3 = 4096
_EHALF = _E_PAD // 2
_NF3 = 4


def _maxpool_body(obnt_hbm, src_hbm, dst_hbm, pooled_out,
                  f0v, f1v, f2v, f3v, a0v, a1v, a2v, a3v, src_c, dst_c):
    c = lax.axis_index("c")
    s = lax.axis_index("s")
    feats = [f0v, f1v, f2v, f3v]
    accs = [a0v, a1v, a2v, a3v]
    for f in range(_NF3):
        pltpu.sync_copy(obnt_hbm.at[s * _NF3 + f], feats[f])
        pltpu.sync_copy(obnt_hbm.at[s * _NF3 + f], accs[f])
    ebase = c * _EHALF

    def chunk(ci, carry):
        pltpu.sync_copy(src_hbm.at[pl.ds(ebase + ci * _CS3, _CS3)], src_c)
        pltpu.sync_copy(dst_hbm.at[pl.ds(ebase + ci * _CS3, _CS3)], dst_c)

        def body(i, c2):
            s16 = src_c[pl.ds(i * 16, 16)]
            d16 = dst_c[pl.ds(i * 16, 16)]
            news = []
            lost = []
            lost_any = None
            for f in range(_NF3):
                vals = plsc.load_gather(feats[f], [s16])
                cur = plsc.load_gather(accs[f], [d16])
                new = jnp.maximum(cur, vals)
                plsc.store_scatter(accs[f], [d16], new)
                news.append(new)
            for f in range(_NF3):
                chk = plsc.load_gather(accs[f], [d16])
                lf = chk < news[f]
                lost.append(lf)
                lost_any = lf if lost_any is None else jnp.logical_or(lost_any, lf)
            npc = plsc.all_reduce_population_count(lost_any)

            @pl.when(npc[0] > 0)
            def _():
                for f in range(_NF3):
                    def cond(m):
                        return jnp.max(m.astype(jnp.int32)) > 0

                    def retry(m, f=f):
                        plsc.store_scatter(accs[f], [d16], news[f], mask=m)
                        cc = plsc.load_gather(accs[f], [d16])
                        return jnp.logical_and(m, cc < news[f])

                    lax.while_loop(cond, retry, lost[f])
            return c2

        lax.fori_loop(0, _CS3 // 16, body, 0)
        return carry

    lax.fori_loop(0, _EHALF // _CS3, chunk, 0)
    for f in range(_NF3):
        pltpu.sync_copy(accs[f],
                        pooled_out.at[c, pl.ds((s * _NF3 + f) * _NP, _NP)])


def _sc_maxpool(obn_t4, src_pad, dst_pad):
    return pl.kernel(
        _maxpool_body,
        out_type=jax.ShapeDtypeStruct((_NC, _D_OUT * _NP), jnp.float32),
        mesh=_mesh(),
        scratch_types=(
            [pltpu.VMEM((_NP,), jnp.float32)] * 8
            + [pltpu.VMEM((_CS3,), jnp.int32)] * 2
        ),
        compiler_params=_SC_PARAMS,
    )(obn_t4, src_pad, dst_pad)


def _final_body(pooled_ref, w_ref, b_ref, g2_ref, b2_ref, batch_ref, out_ref):
    pooled_t = jnp.maximum(pooled_ref[0], pooled_ref[1])
    z = jax.lax.dot_general(w_ref[...], pooled_t, (((1,), (0,)), ((), ())),
                            preferred_element_type=jnp.float32)
    z = z + b_ref[...]
    z = jnp.maximum(z, 0.0)
    valid = lax.broadcasted_iota(jnp.int32, (_D_OUT, _NP), 1) < _N
    zv = jnp.where(valid, z, 0.0)
    mean = jnp.sum(zv, axis=1, keepdims=True) / _N
    var = jnp.sum(zv * zv, axis=1, keepdims=True) / _N - mean * mean
    scale = g2_ref[...] * lax.rsqrt(var + _EPS)
    shift = b2_ref[...] - mean * scale
    zbn = zv * scale + shift
    zbn = jnp.where(valid, zbn, 0.0)
    gid = lax.broadcasted_iota(jnp.int32, (_NP, _N_GRAPHS), 1)
    m = (batch_ref[...] == gid).astype(jnp.float32)
    gt = jax.lax.dot_general(zbn, m, (((1,), (0,)), ((), ())),
                             preferred_element_type=jnp.float32, precision=_HI)
    gt = jnp.tanh(gt)
    io = lax.broadcasted_iota(jnp.int32, (_N_GRAPHS, _N_GRAPHS), 0)
    jo = lax.broadcasted_iota(jnp.int32, (_N_GRAPHS, _N_GRAPHS), 1)
    eye = (io == jo).astype(jnp.float32)
    out_ref[...] = jax.lax.dot_general(eye, gt, (((1,), (1,)), ((), ())),
                                       preferred_element_type=jnp.float32,
                                       precision=_HI)


def _final(pooled_t, dense_W, dense_b2d, g2, b2, batch_col):
    return pl.pallas_call(
        _final_body,
        grid=(1,),
        in_specs=[
            pl.BlockSpec((_NC, _D_OUT, _NP), lambda i: (0, 0, 0)),
            pl.BlockSpec((_D_OUT, _D_OUT), lambda i: (0, 0)),
            pl.BlockSpec((_D_OUT, 1), lambda i: (0, 0)),
            pl.BlockSpec((_D_OUT, 1), lambda i: (0, 0)),
            pl.BlockSpec((_D_OUT, 1), lambda i: (0, 0)),
            pl.BlockSpec((_NP, 1), lambda i: (0, 0)),
        ],
        out_specs=pl.BlockSpec((_N_GRAPHS, _D_OUT), lambda i: (0, 0)),
        out_shape=jax.ShapeDtypeStruct((_N_GRAPHS, _D_OUT), jnp.float32),
    )(pooled_t, dense_W, dense_b2d, g2, b2, batch_col)


def kernel(x, edge_index, batch, Wl, Wr, bn1_gamma, bn1_beta, dense_W,
           dense_b, bn2_gamma, bn2_beta):
    src = edge_index[0]
    dst = edge_index[1]
    i32 = jnp.int32

    pad_e = _E_PAD - _E
    arange_p = jnp.arange(pad_e, dtype=i32)
    dummy_dst = _N + (arange_p % 16)
    dst_a = jnp.concatenate([dst, dummy_dst])
    src_a3 = jnp.concatenate([src, dummy_dst])
    src_a2 = jnp.concatenate([src, arange_p % 64])

    zeros_np_i32 = jnp.zeros((_NP,), i32)
    counts = _sc_counts(dst_a, zeros_np_i32)
    degc = _deg_reduce(counts)

    table = x.reshape(2 * _N, _DH)
    src_s2 = src_a2.reshape(_NS, _E_PAD // _NS)
    dst_s2 = dst_a.reshape(_NS, _ECH2, _CW2)
    zeros_rows = jnp.zeros((_NP // _NS, _DH), jnp.float32)
    hacc = _sc_hsum(table, src_s2, dst_s2, zeros_rows)

    x_np = jnp.pad(x, ((0, _NP - _N), (0, 0)))
    degc_col = degc.reshape(_NP)[:, None]
    wl_flat = Wl.reshape(_NBANK * _D_OUT, _D_IN)
    wr_flat = Wr.reshape(_NBANK * _D_OUT, _D_IN)
    pre = _mfconv(x_np, hacc, degc_col, wl_flat, wr_flat)

    obn_t = _bn1_t(pre, bn1_gamma[None, :], bn1_beta[None, :])
    praw = _sc_maxpool(obn_t, src_a3, dst_a)
    pooled_pair = praw.reshape(_NC, _D_OUT, _NP)

    batch_col = jnp.pad(batch, (0, _NP - _N),
                        constant_values=_N_GRAPHS)[:, None].astype(i32)
    return _final(pooled_pair, dense_W, dense_b[:, None],
                  bn2_gamma[:, None], bn2_beta[:, None], batch_col)

# --- scband reference (transcript-rebuilt; emitter-appended) ---
"""Pipeline reference for scband-fpnn-v2-84061099917749 (READ-ONLY COPY).

The authoritative reference and input builder live on the scoring server;
editing this copy changes nothing except your own understanding.
"""

import jax, jax.numpy as jnp
import numpy as np

N = 10000
E = 160000
D_IN = 256
D_OUT = 64
D_DENSE = 64
MAX_DEG = 10
N_GRAPHS = 128
EPS = 1e-5


def setup_inputs(seed: int = 0):
    key = jax.random.key(seed)
    ks = jax.random.split(key, 8)
    x = jax.random.normal(ks[0], (N, D_IN), dtype=jnp.float32)
    edge_index = jax.random.randint(ks[1], (2, E), 0, N, dtype=jnp.int32)
    batch = jnp.sort(jax.random.randint(ks[2], (N,), 0, N_GRAPHS, dtype=jnp.int32))
    Wl = jax.random.normal(ks[3], (MAX_DEG + 1, D_OUT, D_IN), dtype=jnp.float32) / np.sqrt(D_IN)
    Wr = jax.random.normal(ks[4], (MAX_DEG + 1, D_OUT, D_IN), dtype=jnp.float32) / np.sqrt(D_IN)
    bn1_gamma = jnp.ones((D_OUT,), dtype=jnp.float32)
    bn1_beta = jnp.zeros((D_OUT,), dtype=jnp.float32)
    dense_W = jax.random.normal(ks[5], (D_DENSE, D_OUT), dtype=jnp.float32) / np.sqrt(D_OUT)
    dense_b = jax.random.normal(ks[6], (D_DENSE,), dtype=jnp.float32) * 0.01
    bn2_gamma = jnp.ones((D_DENSE,), dtype=jnp.float32)
    bn2_beta = jnp.zeros((D_DENSE,), dtype=jnp.float32)
    return {"x": x, "edge_index": edge_index, "batch": batch, "Wl": Wl, "Wr": Wr,
            "bn1_gamma": bn1_gamma, "bn1_beta": bn1_beta, "dense_W": dense_W,
            "dense_b": dense_b, "bn2_gamma": bn2_gamma, "bn2_beta": bn2_beta}


def _batchnorm(h, gamma, beta):
    # torch BatchNorm1d in training mode: batch mean + biased variance
    mean = h.mean(axis=0)
    var = h.var(axis=0)
    return (h - mean) / jnp.sqrt(var + EPS) * gamma + beta


def _forward(x, Wl, Wr, bn1_gamma, bn1_beta, dense_W, dense_b, bn2_gamma, bn2_beta, edge_index, batch):
    src, dst = edge_index[0], edge_index[1]
    # MFConv (bias=False): degree of target nodes, clamped to max_degree=10
    deg = jax.ops.segment_sum(jnp.ones((E,), dtype=jnp.int32), dst, num_segments=N)
    deg = jnp.minimum(deg, MAX_DEG)
    # sum-aggregate neighbor features (source_to_target flow)
    h = jax.ops.segment_sum(x[src], dst, num_segments=N)
    # per-degree linear layers: out[i] = lin_l(h[i]) + lin_r(x[i]) using W_{deg(i)}
    out = jnp.zeros((N, D_OUT), dtype=x.dtype)
    for i in range(MAX_DEG + 1):
        r = h @ Wl[i].T + x @ Wr[i].T
        out = jnp.where((deg == i)[:, None], r, out)
    out = jax.nn.relu(out)
    out = _batchnorm(out, bn1_gamma, bn1_beta)
    # max_pool_neighbor_x: add self loops then scatter-max x[row] into col
    loop = jnp.arange(N, dtype=src.dtype)
    row = jnp.concatenate([src, loop])
    col = jnp.concatenate([dst, loop])
    pooled = jax.ops.segment_max(out[row], col, num_segments=N)
    z = pooled @ dense_W.T + dense_b
    z = jax.nn.relu(z)
    z = _batchnorm(z, bn2_gamma, bn2_beta)
    # global_add_pool over batch assignment
    g = jax.ops.segment_sum(z, batch, num_segments=N_GRAPHS)
    return jnp.tanh(g)


def reference(x, edge_index, batch, Wl, Wr, bn1_gamma, bn1_beta, dense_W, dense_b, bn2_gamma, bn2_beta):
    return _forward(x, Wl, Wr, bn1_gamma, bn1_beta, dense_W, dense_b, bn2_gamma, bn2_beta, edge_index, batch)

if __name__ == "__main__":
    import jax
    _d = setup_inputs()
    print(jax.jit(kernel)(*tuple(_d.values())))

</pallas_src>

<mosaic_0001>
#map = affine_map<(d0, d1) -> (0, 0)>
#map1 = affine_map<(d0, d1) -> (0, 0, 0)>
module attributes {stable_mosaic.version = 14 : i64} {
  func.func @_hsum_body(%arg0: i32, %arg1: i32, %arg2: memref<20000x128xf32, #tpu.memory_space<hbm>>, %arg3: memref<16x10240xi32, #tpu.memory_space<hbm>>, %arg4: memref<16x160x64xi32, #tpu.memory_space<hbm>>, %arg5: memref<632x128xf32, #tpu.memory_space<hbm>>, %arg6: memref<2x10112x128xf32, #tpu.memory_space<hbm>>, %arg7: memref<10240xi32, #tpu.memory_space<vmem>>, %arg8: memref<160x64xi32, #tpu.memory_space<vmem>>, %arg9: memref<1x64xi32, #tpu.memory_space<vmem>>, %arg10: memref<1x64xi32, #tpu.memory_space<vmem>>, %arg11: memref<64x128xf32, #tpu.memory_space<vmem>>, %arg12: memref<64x128xf32, #tpu.memory_space<vmem>>, %arg13: memref<10112x128xf32, #tpu.memory_space<vmem_shared>>, %arg14: memref<!tpu.dma_semaphore, #tpu.memory_space<semaphore_mem>>, %arg15: memref<!tpu.dma_semaphore, #tpu.memory_space<semaphore_mem>>) attributes {dimension_semantics = [#tpu.dimension_semantics<core_parallel>, #tpu.dimension_semantics<subcore_parallel>], iteration_bounds = array<i64: 2, 16>, scalar_prefetch = 0 : i64, scratch_operands = 9 : i64, tpu.core_type = #tpu.core_type<sc_vector_subcore>, window_params = [{transform_indices = #map}, {transform_indices = #map}, {transform_indices = #map1}, {transform_indices = #map}, {transform_indices = #map1}]} {
    "tpu.region"() ({
      %run_scoped3A_123 = tpu.sem_alloc : memref<!tpu.dma_semaphore, #tpu.memory_space<semaphore_mem>>
      %dma_start3A_124 = arith.constant 0 : i32
      %dma_start3A_125 = tpu.memref_slice %arg3[%arg1, %dma_start3A_124] : memref<16x10240xi32, #tpu.memory_space<hbm>> -> memref<1x10240xi32, #tpu.memory_space<hbm>>
      %dma_start3A_126 = tpu.memref_squeeze %dma_start3A_125 : memref<1x10240xi32, #tpu.memory_space<hbm>> -> memref<10240xi32, #tpu.memory_space<hbm>>
      %dma_start3A_127 = arith.constant 0 : i32
      %dma_start3A_128 = tpu.memref_slice %arg3[%arg1, %dma_start3A_127] : memref<16x10240xi32, #tpu.memory_space<hbm>> -> memref<1x10240xi32, #tpu.memory_space<hbm>>
      %dma_start3A_129 = tpu.memref_squeeze %dma_start3A_128 : memref<1x10240xi32, #tpu.memory_space<hbm>> -> memref<10240xi32, #tpu.memory_space<hbm>>
      tpu.enqueue_dma source(%dma_start3A_129 : memref<10240xi32, #tpu.memory_space<hbm>>) target(%arg7 : memref<10240xi32, #tpu.memory_space<vmem>>) target_semaphore(%run_scoped3A_123 : memref<!tpu.dma_semaphore, #tpu.memory_space<semaphore_mem>>)
      %dma_wait3A_130 = arith.constant 0 : i32
      %dma_wait3A_131 = tpu.memref_slice %arg3[%arg1, %dma_wait3A_130] : memref<16x10240xi32, #tpu.memory_space<hbm>> -> memref<1x10240xi32, #tpu.memory_space<hbm>>
      %dma_wait3A_132 = tpu.memref_squeeze %dma_wait3A_131 : memref<1x10240xi32, #tpu.memory_space<hbm>> -> memref<10240xi32, #tpu.memory_space<hbm>>
      %dma_wait3A_133 = arith.constant 0 : i32
      %dma_wait3A_134 = tpu.memref_slice %arg3[%arg1, %dma_wait3A_133] : memref<16x10240xi32, #tpu.memory_space<hbm>> -> memref<1x10240xi32, #tpu.memory_space<hbm>>
      %dma_wait3A_135 = tpu.memref_squeeze %dma_wait3A_134 : memref<1x10240xi32, #tpu.memory_space<hbm>> -> memref<10240xi32, #tpu.memory_space<hbm>>
      tpu.wait_dma2 semaphore(%run_scoped3A_123 : memref<!tpu.dma_semaphore, #tpu.memory_space<semaphore_mem>>) src(%dma_wait3A_135 : memref<10240xi32, #tpu.memory_space<hbm>>) dst(%arg7 : memref<10240xi32, #tpu.memory_space<vmem>>)
      tpu.yield
    }) : () -> ()
    "tpu.region"() ({
      %run_scoped3A_123 = tpu.sem_alloc : memref<!tpu.dma_semaphore, #tpu.memory_space<semaphore_mem>>
      %dma_start3A_124 = arith.constant 0 : i32
      %dma_start3A_125 = arith.constant 0 : i32
      %dma_start3A_126 = tpu.memref_slice %arg4[%arg1, %dma_start3A_124, %dma_start3A_125] : memref<16x160x64xi32, #tpu.memory_space<hbm>> -> memref<1x160x64xi32, #tpu.memory_space<hbm>>
      %dma_start3A_127 = tpu.memref_squeeze %dma_start3A_126 : memref<1x160x64xi32, #tpu.memory_space<hbm>> -> memref<160x64xi32, #tpu.memory_space<hbm>>
      %dma_start3A_128 = arith.constant 0 : i32
      %dma_start3A_129 = arith.constant 0 : i32
      %dma_start3A_130 = tpu.memref_slice %arg4[%arg1, %dma_start3A_128, %dma_start3A_129] : memref<16x160x64xi32, #tpu.memory_space<hbm>> -> memref<1x160x64xi32, #tpu.memory_space<hbm>>
      %dma_start3A_131 = tpu.memref_squeeze %dma_start3A_130 : memref<1x160x64xi32, #tpu.memory_space<hbm>> -> memref<160x64xi32, #tpu.memory_space<hbm>>
      tpu.enqueue_dma source(%dma_start3A_131 : memref<160x64xi32, #tpu.memory_space<hbm>>) target(%arg8 : memref<160x64xi32, #tpu.memory_space<vmem>>) target_semaphore(%run_scoped3A_123 : memref<!tpu.dma_semaphore, #tpu.memory_space<semaphore_mem>>)
      %dma_wait3A_132 = arith.constant 0 : i32
      %dma_wait3A_133 = arith.constant 0 : i32
      %dma_wait3A_134 = tpu.memref_slice %arg4[%arg1, %dma_wait3A_132, %dma_wait3A_133] : memref<16x160x64xi32, #tpu.memory_space<hbm>> -> memref<1x160x64xi32, #tpu.memory_space<hbm>>
      %dma_wait3A_135 = tpu.memref_squeeze %dma_wait3A_134 : memref<1x160x64xi32, #tpu.memory_space<hbm>> -> memref<160x64xi32, #tpu.memory_space<hbm>>
      %dma_wait3A_136 = arith.constant 0 : i32
      %dma_wait3A_137 = arith.constant 0 : i32
      %dma_wait3A_138 = tpu.memref_slice %arg4[%arg1, %dma_wait3A_136, %dma_wait3A_137] : memref<16x160x64xi32, #tpu.memory_space<hbm>> -> memref<1x160x64xi32, #tpu.memory_space<hbm>>
      %dma_wait3A_139 = tpu.memref_squeeze %dma_wait3A_138 : memref<1x160x64xi32, #tpu.memory_space<hbm>> -> memref<160x64xi32, #tpu.memory_space<hbm>>
      tpu.wait_dma2 semaphore(%run_scoped3A_123 : memref<!tpu.dma_semaphore, #tpu.memory_space<semaphore_mem>>) src(%dma_wait3A_139 : memref<160x64xi32, #tpu.memory_space<hbm>>) dst(%arg8 : memref<160x64xi32, #tpu.memory_space<vmem>>)
      tpu.yield
    }) : () -> ()
    %mul3A = arith.constant 632 : i32
    %mul3A_0 = arith.muli %arg1, %mul3A : i32
    "tpu.region"() ({
      %run_scoped3A_123 = tpu.sem_alloc : memref<!tpu.dma_semaphore, #tpu.memory_space<semaphore_mem>>
      %dma_start3A_124 = arith.constant 0 : i32
      %dma_start3A_125 = tpu.memref_slice %arg13[%mul3A_0, %dma_start3A_124] : memref<10112x128xf32, #tpu.memory_space<vmem_shared>> -> memref<632x128xf32, #tpu.memory_space<vmem_shared>>
      tpu.enqueue_dma source(%arg5 : memref<632x128xf32, #tpu.memory_space<hbm>>) target(%dma_start3A_125 : memref<632x128xf32, #tpu.memory_space<vmem_shared>>) target_semaphore(%run_scoped3A_123 : memref<!tpu.dma_semaphore, #tpu.memory_space<semaphore_mem>>)
      %dma_wait3A_126 = arith.constant 0 : i32
      %dma_wait3A_127 = tpu.memref_slice %arg13[%mul3A_0, %dma_wait3A_126] : memref<10112x128xf32, #tpu.memory_space<vmem_shared>> -> memref<632x128xf32, #tpu.memory_space<vmem_shared>>
      tpu.wait_dma2 semaphore(%run_scoped3A_123 : memref<!tpu.dma_semaphore, #tpu.memory_space<semaphore_mem>>) src(%arg5 : memref<632x128xf32, #tpu.memory_space<hbm>>) dst(%dma_wait3A_127 : memref<632x128xf32, #tpu.memory_space<vmem_shared>>)
      tpu.yield
    }) : () -> ()
    %barrier3A = arith.constant 0 : index
    tpu.barrier barrier_id(%barrier3A)
    %get3A = arith.constant 0 : index
    %get3A_1 = tpu.vector_load %arg7[%get3A] {strides = array<i32>} : memref<10240xi32, #tpu.memory_space<vmem>>, vector<16xi32>,
    %mul3A_2 = arith.constant 2 : i32
    %mul3A_3 = vector.broadcast %mul3A_2 : i32 to vector<16xi32>
    %mul3A_4 = arith.muli %get3A_1, %mul3A_3 : vector<16xi32>
    %add3A = vector.broadcast %arg0 : i32 to vector<16xi32>
    %add3A_5 = arith.addi %mul3A_4, %add3A : vector<16xi32>
    %swap3A = arith.constant 0 : i32
    %swap3A_6 = arith.index_cast %swap3A : i32 to index
    %swap3A_7 = arith.constant 0 : index
    %swap3A_8 = tpu.vector_load %arg9[%swap3A_6, %swap3A_7] {strides = array<i32>} : memref<1x64xi32, #tpu.memory_space<vmem>>, vector<16xi32>,
    tpu.vector_store %arg9[%swap3A_6, %swap3A_7], %add3A_5 {strides = array<i32>} : memref<1x64xi32, #tpu.memory_space<vmem>>, vector<16xi32>,
    %get3A_9 = arith.constant 16 : index
    %get3A_10 = tpu.vector_load %arg7[%get3A_9] {strides = array<i32>} : memref<10240xi32, #tpu.memory_space<vmem>>, vector<16xi32>,
    %mul3A_11 = arith.constant 2 : i32
    %mul3A_12 = vector.broadcast %mul3A_11 : i32 to vector<16xi32>
    %mul3A_13 = arith.muli %get3A_10, %mul3A_12 : vector<16xi32>
    %add3A_14 = vector.broadcast %arg0 : i32 to vector<16xi32>
    %add3A_15 = arith.addi %mul3A_13, %add3A_14 : vector<16xi32>
    %swap3A_16 = arith.constant 0 : i32
    %swap3A_17 = arith.index_cast %swap3A_16 : i32 to index
    %swap3A_18 = arith.constant 16 : index
    %swap3A_19 = tpu.vector_load %arg9[%swap3A_17, %swap3A_18] {strides = array<i32>} : memref<1x64xi32, #tpu.memory_space<vmem>>, vector<16xi32>,
    tpu.vector_store %arg9[%swap3A_17, %swap3A_18], %add3A_15 {strides = array<i32>} : memref<1x64xi32, #tpu.memory_space<vmem>>, vector<16xi32>,
    %get3A_20 = arith.constant 32 : index
    %get3A_21 = tpu.vector_load %arg7[%get3A_20] {strides = array<i32>} : memref<10240xi32, #tpu.memory_space<vmem>>, vector<16xi32>,
    %mul3A_22 = arith.constant 2 : i32
    %mul3A_23 = vector.broadcast %mul3A_22 : i32 to vector<16xi32>
    %mul3A_24 = arith.muli %get3A_21, %mul3A_23 : vector<16xi32>
    %add3A_25 = vector.broadcast %arg0 : i32 to vector<16xi32>
    %add3A_26 = arith.addi %mul3A_24, %add3A_25 : vector<16xi32>
    %swap3A_27 = arith.constant 0 : i32
    %swap3A_28 = arith.index_cast %swap3A_27 : i32 to index
    %swap3A_29 = arith.constant 32 : index
    %swap3A_30 = tpu.vector_load %arg9[%swap3A_28, %swap3A_29] {strides = array<i32>} : memref<1x64xi32, #tpu.memory_space<vmem>>, vector<16xi32>,
    tpu.vector_store %arg9[%swap3A_28, %swap3A_29], %add3A_26 {strides = array<i32>} : memref<1x64xi32, #tpu.memory_space<vmem>>, vector<16xi32>,
    %get3A_31 = arith.constant 48 : index
    %get3A_32 = tpu.vector_load %arg7[%get3A_31] {strides = array<i32>} : memref<10240xi32, #tpu.memory_space<vmem>>, vector<16xi32>,
    %mul3A_33 = arith.constant 2 : i32
    %mul3A_34 = vector.broadcast %mul3A_33 : i32 to vector<16xi32>
    %mul3A_35 = arith.muli %get3A_32, %mul3A_34 : vector<16xi32>
    %add3A_36 = vector.broadcast %arg0 : i32 to vector<16xi32>
    %add3A_37 = arith.addi %mul3A_35, %add3A_36 : vector<16xi32>
    %swap3A_38 = arith.constant 0 : i32
    %swap3A_39 = arith.index_cast %swap3A_38 : i32 to index
    %swap3A_40 = arith.constant 48 : index
    %swap3A_41 = tpu.vector_load %arg9[%swap3A_39, %swap3A_40] {strides = array<i32>} : memref<1x64xi32, #tpu.memory_space<vmem>>, vector<16xi32>,
    tpu.vector_store %arg9[%swap3A_39, %swap3A_40], %add3A_37 {strides = array<i32>} : memref<1x64xi32, #tpu.memory_space<vmem>>, vector<16xi32>,
    %dma_start3A = arith.constant 0 : i32
    %dma_start3A_42 = arith.constant 0 : i32
    %dma_start3A_43 = tpu.memref_slice %arg9[%dma_start3A, %dma_start3A_42] : memref<1x64xi32, #tpu.memory_space<vmem>> -> memref<1x64xi32, #tpu.memory_space<vmem>>
    %dma_start3A_44 = tpu.memref_squeeze %dma_start3A_43 : memref<1x64xi32, #tpu.memory_space<vmem>> -> memref<64xi32, #tpu.memory_space<vmem>>
    %dma_start3A_45 = arith.constant 0 : i32
    %dma_start3A_46 = arith.constant 0 : i32
    %dma_start3A_47 = tpu.memref_slice %arg2[%dma_start3A_45, %dma_start3A_46] : memref<20000x128xf32, #tpu.memory_space<hbm>> -> memref<20000x128xf32, #tpu.memory_space<hbm>>
    tpu.enqueue_indirect_dma source(%dma_start3A_47 : memref<20000x128xf32, #tpu.memory_space<hbm>>) target(%arg11 : memref<64x128xf32, #tpu.memory_space<vmem>>) offsets(%dma_start3A_44 : memref<64xi32, #tpu.memory_space<vmem>>) semaphore(%arg14 : memref<!tpu.dma_semaphore, #tpu.memory_space<semaphore_mem>>)
    %scan3A = arith.constant 0 : i32
    %scan3A_48 = arith.constant 0 : i32
    %scan3A_49 = arith.constant 79 : i32
    %scan3A_50 = arith.addi %scan3A_48, %scan3A_49 : i32
    %scan3A_51 = arith.constant 1 : i32
    scf.for %scan3A_123 = %scan3A_48 to %scan3A_50 step %scan3A_51  : i32 {
      %mul3A_124 = arith.constant 2 : i32
      %mul3A_125 = arith.muli %mul3A_124, %scan3A_123 : i32
      %add3A_126 = arith.constant 1 : i32
      %add3A_127 = arith.addi %mul3A_125, %add3A_126 : i32
      %mul3A_128 = arith.constant 64 : i32
      %mul3A_129 = arith.muli %add3A_127, %mul3A_128 : i32
      %add3A_130 = arith.constant 0 : i32
      %add3A_131 = arith.addi %mul3A_129, %add3A_130 : i32
      %get3A_132 = arith.index_cast %add3A_131 : i32 to index
      %get3A_133 = tpu.vector_load %arg7[%get3A_132] {strides = array<i32>} : memref<10240xi32, #tpu.memory_space<vmem>>, vector<16xi32>,
      %mul3A_134 = arith.constant 2 : i32
      %mul3A_135 = vector.broadcast %mul3A_134 : i32 to vector<16xi32>
      %mul3A_136 = arith.muli %get3A_133, %mul3A_135 : vector<16xi32>
      %add3A_137 = vector.broadcast %arg0 : i32 to vector<16xi32>
      %add3A_138 = arith.addi %mul3A_136, %add3A_137 : vector<16xi32>
      %swap3A_139 = arith.constant 0 : i32
      %swap3A_140 = arith.index_cast %swap3A_139 : i32 to index
      %swap3A_141 = arith.constant 0 : index
      %swap3A_142 = tpu.vector_load %arg10[%swap3A_140, %swap3A_141] {strides = array<i32>} : memref<1x64xi32, #tpu.memory_space<vmem>>, vector<16xi32>,
      tpu.vector_store %arg10[%swap3A_140, %swap3A_141], %add3A_138 {strides = array<i32>} : memref<1x64xi32, #tpu.memory_space<vmem>>, vector<16xi32>,
      %mul3A_143 = arith.constant 64 : i32
      %mul3A_144 = arith.muli %add3A_127, %mul3A_143 : i32
      %add3A_145 = arith.constant 16 : i32
      %add3A_146 = arith.addi %mul3A_144, %add3A_145 : i32
      %get3A_147 = arith.index_cast %add3A_146 : i32 to index
      %get3A_148 = tpu.vector_load %arg7[%get3A_147] {strides = array<i32>} : memref<10240xi32, #tpu.memory_space<vmem>>, vector<16xi32>,
      %mul3A_149 = arith.constant 2 : i32
      %mul3A_150 = vector.broadcast %mul3A_149 : i32 to vector<16xi32>
      %mul3A_151 = arith.muli %get3A_148, %mul3A_150 : vector<16xi32>
      %add3A_152 = vector.broadcast %arg0 : i32 to vector<16xi32>
      %add3A_153 = arith.addi %mul3A_151, %add3A_152 : vector<16xi32>
      %swap3A_154 = arith.constant 0 : i32
      %swap3A_155 = arith.index_cast %swap3A_154 : i32 to index
      %swap3A_156 = arith.constant 16 : index
      %swap3A_157 = tpu.vector_load %arg10[%swap3A_155, %swap3A_156] {strides = array<i32>} : memref<1x64xi32, #tpu.memory_space<vmem>>, vector<16xi32>,
      tpu.vector_store %arg10[%swap3A_155, %swap3A_156], %add3A_153 {strides = array<i32>} : memref<1x64xi32, #tpu.memory_space<vmem>>, vector<16xi32>,
      %mul3A_158 = arith.constant 64 : i32
      %mul3A_159 = arith.muli %add3A_127, %mul3A_158 : i32
      %add3A_160 = arith.constant 32 : i32
      %add3A_161 = arith.addi %mul3A_159, %add3A_160 : i32
      %get3A_162 = arith.index_cast %add3A_161 : i32 to index
      %get3A_163 = tpu.vector_load %arg7[%get3A_162] {strides = array<i32>} : memref<10240xi32, #tpu.memory_space<vmem>>, vector<16xi32>,
      %mul3A_164 = arith.constant 2 : i32
      %mul3A_165 = vector.broadcast %mul3A_164 : i32 to vector<16xi32>
      %mul3A_166 = arith.muli %get3A_163, %mul3A_165 : vector<16xi32>
      %add3A_167 = vector.broadcast %arg0 : i32 to vector<16xi32>
      %add3A_168 = arith.addi %mul3A_166, %add3A_167 : vector<16xi32>
      %swap3A_169 = arith.constant 0 : i32
      %swap3A_170 = arith.index_cast %swap3A_169 : i32 to index
      %swap3A_171 = arith.constant 32 : index
      %swap3A_172 = tpu.vector_load %arg10[%swap3A_170, %swap3A_171] {strides = array<i32>} : memref<1x64xi32, #tpu.memory_space<vmem>>, vector<16xi32>,
      tpu.vector_store %arg10[%swap3A_170, %swap3A_171], %add3A_168 {strides = array<i32>} : memref<1x64xi32, #tpu.memory_space<vmem>>, vector<16xi32>,
      %mul3A_173 = arith.constant 64 : i32
      %mul3A_174 = arith.muli %add3A_127, %mul3A_173 : i32
      %add3A_175 = arith.constant 48 : i32
      %add3A_176 = arith.addi %mul3A_174, %add3A_175 : i32
      %get3A_177 = arith.index_cast %add3A_176 : i32 to index
      %get3A_178 = tpu.vector_load %arg7[%get3A_177] {strides = array<i32>} : memref<10240xi32, #tpu.memory_space<vmem>>, vector<16xi32>,
      %mul3A_179 = arith.constant 2 : i32
      %mul3A_180 = vector.broadcast %mul3A_179 : i32 to vector<16xi32>
      %mul3A_181 = arith.muli %get3A_178, %mul3A_180 : vector<16xi32>
      %add3A_182 = vector.broadcast %arg0 : i32 to vector<16xi32>
      %add3A_183 = arith.addi %mul3A_181, %add3A_182 : vector<16xi32>
      %swap3A_184 = arith.constant 0 : i32
      %swap3A_185 = arith.index_cast %swap3A_184 : i32 to index
      %swap3A_186 = arith.constant 48 : index
      %swap3A_187 = tpu.vector_load %arg10[%swap3A_185, %swap3A_186] {strides = array<i32>} : memref<1x64xi32, #tpu.memory_space<vmem>>, vector<16xi32>,
      tpu.vector_store %arg10[%swap3A_185, %swap3A_186], %add3A_183 {strides = array<i32>} : memref<1x64xi32, #tpu.memory_space<vmem>>, vector<16xi32>,
      %dma_start3A_188 = arith.constant 0 : i32
      %dma_start3A_189 = arith.constant 0 : i32
      %dma_start3A_190 = tpu.memref_slice %arg10[%dma_start3A_188, %dma_start3A_189] : memref<1x64xi32, #tpu.memory_space<vmem>> -> memref<1x64xi32, #tpu.memory_space<vmem>>
      %dma_start3A_191 = tpu.memref_squeeze %dma_start3A_190 : memref<1x64xi32, #tpu.memory_space<vmem>> -> memref<64xi32, #tpu.memory_space<vmem>>
      %dma_start3A_192 = arith.constant 0 : i32
      %dma_start3A_193 = arith.constant 0 : i32
      %dma_start3A_194 = tpu.memref_slice %arg2[%dma_start3A_192, %dma_start3A_193] : memref<20000x128xf32, #tpu.memory_space<hbm>> -> memref<20000x128xf32, #tpu.memory_space<hbm>>
      tpu.enqueue_indirect_dma source(%dma_start3A_194 : memref<20000x128xf32, #tpu.memory_space<hbm>>) target(%arg12 : memref<64x128xf32, #tpu.memory_space<vmem>>) offsets(%dma_start3A_191 : memref<64xi32, #tpu.memory_space<vmem>>) semaphore(%arg15 : memref<!tpu.dma_semaphore, #tpu.memory_space<semaphore_mem>>)
      %dma_wait3A_195 = arith.constant 0 : i32
      %dma_wait3A_196 = arith.constant 0 : i32
      %dma_wait3A_197 = tpu.memref_slice %arg9[%dma_wait3A_195, %dma_wait3A_196] : memref<1x64xi32, #tpu.memory_space<vmem>> -> memref<1x64xi32, #tpu.memory_space<vmem>>
      %dma_wait3A_198 = tpu.memref_squeeze %dma_wait3A_197 : memref<1x64xi32, #tpu.memory_space<vmem>> -> memref<64xi32, #tpu.memory_space<vmem>>
      %dma_wait3A_199 = arith.constant 0 : i32
      %dma_wait3A_200 = arith.constant 0 : i32
      %dma_wait3A_201 = tpu.memref_slice %arg2[%dma_wait3A_199, %dma_wait3A_200] : memref<20000x128xf32, #tpu.memory_space<hbm>> -> memref<20000x128xf32, #tpu.memory_space<hbm>>
      tpu.wait_indirect_dma semaphore(%arg14 : memref<!tpu.dma_semaphore, #tpu.memory_space<semaphore_mem>>) src(%dma_wait3A_201 : memref<20000x128xf32, #tpu.memory_space<hbm>>) dst(%arg11 : memref<64x128xf32, #tpu.memory_space<vmem>>)
      "tpu.region"() ({
        %run_scoped3A_280 = tpu.sem_alloc : memref<!tpu.dma_semaphore, #tpu.memory_space<semaphore_mem>>
        %dma_start3A_281 = arith.constant 0 : i32
        %dma_start3A_282 = tpu.memref_slice %arg8[%mul3A_125, %dma_start3A_281] : memref<160x64xi32, #tpu.memory_space<vmem>> -> memref<1x64xi32, #tpu.memory_space<vmem>>
        %dma_start3A_283 = tpu.memref_squeeze %dma_start3A_282 : memref<1x64xi32, #tpu.memory_space<vmem>> -> memref<64xi32, #tpu.memory_space<vmem>>
        %dma_start3A_284 = arith.constant 0 : i32
        %dma_start3A_285 = arith.constant 0 : i32
        %dma_start3A_286 = tpu.memref_slice %arg13[%dma_start3A_284, %dma_start3A_285] : memref<10112x128xf32, #tpu.memory_space<vmem_shared>> -> memref<10112x128xf32, #tpu.memory_space<vmem_shared>>
        tpu.enqueue_indirect_dma source(%arg11 : memref<64x128xf32, #tpu.memory_space<vmem>>) target(%dma_start3A_286 : memref<10112x128xf32, #tpu.memory_space<vmem_shared>>) offsets(%dma_start3A_283 : memref<64xi32, #tpu.memory_space<vmem>>) semaphore(%run_scoped3A_280 : memref<!tpu.dma_semaphore, #tpu.memory_space<semaphore_mem>>) {add = true}
        %dma_wait3A_287 = arith.constant 0 : i32
        %dma_wait3A_288 = tpu.memref_slice %arg8[%mul3A_125, %dma_wait3A_287] : memref<160x64xi32, #tpu.memory_space<vmem>> -> memref<1x64xi32, #tpu.memory_space<vmem>>
        %dma_wait3A_289 = tpu.memref_squeeze %dma_wait3A_288 : memref<1x64xi32, #tpu.memory_space<vmem>> -> memref<64xi32, #tpu.memory_space<vmem>>
        %dma_wait3A_290 = arith.constant 0 : i32
        %dma_wait3A_291 = arith.constant 0 : i32
        %dma_wait3A_292 = tpu.memref_slice %arg13[%dma_wait3A_290, %dma_wait3A_291] : memref<10112x128xf32, #tpu.memory_space<vmem_shared>> -> memref<10112x128xf32, #tpu.memory_space<vmem_shared>>
        tpu.wait_indirect_dma semaphore(%run_scoped3A_280 : memref<!tpu.dma_semaphore, #tpu.memory_space<semaphore_mem>>) src(%arg11 : memref<64x128xf32, #tpu.memory_space<vmem>>) dst(%dma_wait3A_292 : memref<10112x128xf32, #tpu.memory_space<vmem_shared>>)
        tpu.yield
      }) : () -> ()
      %add3A_202 = arith.constant 2 : i32
      %add3A_203 = arith.addi %mul3A_125, %add3A_202 : i32
      %mul3A_204 = arith.constant 64 : i32
      %mul3A_205 = arith.muli %add3A_203, %mul3A_204 : i32
      %add3A_206 = arith.constant 0 : i32
      %add3A_207 = arith.addi %mul3A_205, %add3A_206 : i32
      %get3A_208 = arith.index_cast %add3A_207 : i32 to index
      %get3A_209 = tpu.vector_load %arg7[%get3A_208] {strides = array<i32>} : memref<10240xi32, #tpu.memory_space<vmem>>, vector<16xi32>,
      %mul3A_210 = arith.constant 2 : i32
      %mul3A_211 = vector.broadcast %mul3A_210 : i32 to vector<16xi32>
      %mul3A_212 = arith.muli %get3A_209, %mul3A_211 : vector<16xi32>
      %add3A_213 = vector.broadcast %arg0 : i32 to vector<16xi32>
      %add3A_214 = arith.addi %mul3A_212, %add3A_213 : vector<16xi32>
      %swap3A_215 = arith.constant 0 : i32
      %swap3A_216 = arith.index_cast %swap3A_215 : i32 to index
      %swap3A_217 = arith.constant 0 : index
      %swap3A_218 = tpu.vector_load %arg9[%swap3A_216, %swap3A_217] {strides = array<i32>} : memref<1x64xi32, #tpu.memory_space<vmem>>, vector<16xi32>,
      tpu.vector_store %arg9[%swap3A_216, %swap3A_217], %add3A_214 {strides = array<i32>} : memref<1x64xi32, #tpu.memory_space<vmem>>, vector<16xi32>,
      %mul3A_219 = arith.constant 64 : i32
      %mul3A_220 = arith.muli %add3A_203, %mul3A_219 : i32
      %add3A_221 = arith.constant 16 : i32
      %add3A_222 = arith.addi %mul3A_220, %add3A_221 : i32
      %get3A_223 = arith.index_cast %add3A_222 : i32 to index
      %get3A_224 = tpu.vector_load %arg7[%get3A_223] {strides = array<i32>} : memref<10240xi32, #tpu.memory_space<vmem>>, vector<16xi32>,
      %mul3A_225 = arith.constant 2 : i32
      %mul3A_226 = vector.broadcast %mul3A_225 : i32 to vector<16xi32>
      %mul3A_227 = arith.muli %get3A_224, %mul3A_226 : vector<16xi32>
      %add3A_228 = vector.broadcast %arg0 : i32 to vector<16xi32>
      %add3A_229 = arith.addi %mul3A_227, %add3A_228 : vector<16xi32>
      %swap3A_230 = arith.constant 0 : i32
      %swap3A_231 = arith.index_cast %swap3A_230 : i32 to index
      %swap3A_232 = arith.constant 16 : index
      %swap3A_233 = tpu.vector_load %arg9[%swap3A_231, %swap3A_232] {strides = array<i32>} : memref<1x64xi32, #tpu.memory_space<vmem>>, vector<16xi32>,
      tpu.vector_store %arg9[%swap3A_231, %swap3A_232], %add3A_229 {strides = array<i32>} : memref<1x64xi32, #tpu.memory_space<vmem>>, vector<16xi32>,
      %mul3A_234 = arith.constant 64 : i32
      %mul3A_235 = arith.muli %add3A_203, %mul3A_234 : i32
      %add3A_236 = arith.constant 32 : i32
      %add3A_237 = arith.addi %mul3A_235, %add3A_236 : i32
      %get3A_238 = arith.index_cast %add3A_237 : i32 to index
      %get3A_239 = tpu.vector_load %arg7[%get3A_238] {strides = array<i32>} : memref<10240xi32, #tpu.memory_space<vmem>>, vector<16xi32>,
      %mul3A_240 = arith.constant 2 : i32
      %mul3A_241 = vector.broadcast %mul3A_240 : i32 to vector<16xi32>
      %mul3A_242 = arith.muli %get3A_239, %mul3A_241 : vector<16xi32>
      %add3A_243 = vector.broadcast %arg0 : i32 to vector<16xi32>
      %add3A_244 = arith.addi %mul3A_242, %add3A_243 : vector<16xi32>
      %swap3A_245 = arith.constant 0 : i32
      %swap3A_246 = arith.index_cast %swap3A_245 : i32 to index
      %swap3A_247 = arith.constant 32 : index
      %swap3A_248 = tpu.vector_load %arg9[%swap3A_246, %swap3A_247] {strides = array<i32>} : memref<1x64xi32, #tpu.memory_space<vmem>>, vector<16xi32>,
      tpu.vector_store %arg9[%swap3A_246, %swap3A_247], %add3A_244 {strides = array<i32>} : memref<1x64xi32, #tpu.memory_space<vmem>>, vector<16xi32>,
      %mul3A_249 = arith.constant 64 : i32
      %mul3A_250 = arith.muli %add3A_203, %mul3A_249 : i32
      %add3A_251 = arith.constant 48 : i32
      %add3A_252 = arith.addi %mul3A_250, %add3A_251 : i32
      %get3A_253 = arith.index_cast %add3A_252 : i32 to index
      %get3A_254 = tpu.vector_load %arg7[%get3A_253] {strides = array<i32>} : memref<10240xi32, #tpu.memory_space<vmem>>, vector<16xi32>,
      %mul3A_255 = arith.constant 2 : i32
      %mul3A_256 = vector.broadcast %mul3A_255 : i32 to vector<16xi32>
      %mul3A_257 = arith.muli %get3A_254, %mul3A_256 : vector<16xi32>
      %add3A_258 = vector.broadcast %arg0 : i32 to vector<16xi32>
      %add3A_259 = arith.addi %mul3A_257, %add3A_258 : vector<16xi32>
      %swap3A_260 = arith.constant 0 : i32
      %swap3A_261 = arith.index_cast %swap3A_260 : i32 to index
      %swap3A_262 = arith.constant 48 : index
      %swap3A_263 = tpu.vector_load %arg9[%swap3A_261, %swap3A_262] {strides = array<i32>} : memref<1x64xi32, #tpu.memory_space<vmem>>, vector<16xi32>,
      tpu.vector_store %arg9[%swap3A_261, %swap3A_262], %add3A_259 {strides = array<i32>} : memref<1x64xi32, #tpu.memory_space<vmem>>, vector<16xi32>,
      %dma_start3A_264 = arith.constant 0 : i32
      %dma_start3A_265 = arith.constant 0 : i32
      %dma_start3A_266 = tpu.memref_slice %arg9[%dma_start3A_264, %dma_start3A_265] : memref<1x64xi32, #tpu.memory_space<vmem>> -> memref<1x64xi32, #tpu.memory_space<vmem>>
      %dma_start3A_267 = tpu.memref_squeeze %dma_start3A_266 : memref<1x64xi32, #tpu.memory_space<vmem>> -> memref<64xi32, #tpu.memory_space<vmem>>
      %dma_start3A_268 = arith.constant 0 : i32
      %dma_start3A_269 = arith.constant 0 : i32
      %dma_start3A_270 = tpu.memref_slice %arg2[%dma_start3A_268, %dma_start3A_269] : memref<20000x128xf32, #tpu.memory_space<hbm>> -> memref<20000x128xf32, #tpu.memory_space<hbm>>
      tpu.enqueue_indirect_dma source(%dma_start3A_270 : memref<20000x128xf32, #tpu.memory_space<hbm>>) target(%arg11 : memref<64x128xf32, #tpu.memory_space<vmem>>) offsets(%dma_start3A_267 : memref<64xi32, #tpu.memory_space<vmem>>) semaphore(%arg14 : memref<!tpu.dma_semaphore, #tpu.memory_space<semaphore_mem>>)
      %dma_wait3A_271 = arith.constant 0 : i32
      %dma_wait3A_272 = arith.constant 0 : i32
      %dma_wait3A_273 = tpu.memref_slice %arg10[%dma_wait3A_271, %dma_wait3A_272] : memref<1x64xi32, #tpu.memory_space<vmem>> -> memref<1x64xi32, #tpu.memory_space<vmem>>
      %dma_wait3A_274 = tpu.memref_squeeze %dma_wait3A_273 : memref<1x64xi32, #tpu.memory_space<vmem>> -> memref<64xi32, #tpu.memory_space<vmem>>
      %dma_wait3A_275 = arith.constant 0 : i32
      %dma_wait3A_276 = arith.constant 0 : i32
      %dma_wait3A_277 = tpu.memref_slice %arg2[%dma_wait3A_275, %dma_wait3A_276] : memref<20000x128xf32, #tpu.memory_space<hbm>> -> memref<20000x128xf32, #tpu.memory_space<hbm>>
      tpu.wait_indirect_dma semaphore(%arg15 : memref<!tpu.dma_semaphore, #tpu.memory_space<semaphore_mem>>) src(%dma_wait3A_277 : memref<20000x128xf32, #tpu.memory_space<hbm>>) dst(%arg12 : memref<64x128xf32, #tpu.memory_space<vmem>>)
      %add3A_278 = arith.constant 1 : i32
      %add3A_279 = arith.addi %mul3A_125, %add3A_278 : i32
      "tpu.region"() ({
        %run_scoped3A_280 = tpu.sem_alloc : memref<!tpu.dma_semaphore, #tpu.memory_space<semaphore_mem>>
        %dma_start3A_281 = arith.constant 0 : i32
        %dma_start3A_282 = tpu.memref_slice %arg8[%add3A_279, %dma_start3A_281] : memref<160x64xi32, #tpu.memory_space<vmem>> -> memref<1x64xi32, #tpu.memory_space<vmem>>
        %dma_start3A_283 = tpu.memref_squeeze %dma_start3A_282 : memref<1x64xi32, #tpu.memory_space<vmem>> -> memref<64xi32, #tpu.memory_space<vmem>>
        %dma_start3A_284 = arith.constant 0 : i32
        %dma_start3A_285 = arith.constant 0 : i32
        %dma_start3A_286 = tpu.memref_slice %arg13[%dma_start3A_284, %dma_start3A_285] : memref<10112x128xf32, #tpu.memory_space<vmem_shared>> -> memref<10112x128xf32, #tpu.memory_space<vmem_shared>>
        tpu.enqueue_indirect_dma source(%arg12 : memref<64x128xf32, #tpu.memory_space<vmem>>) target(%dma_start3A_286 : memref<10112x128xf32, #tpu.memory_space<vmem_shared>>) offsets(%dma_start3A_283 : memref<64xi32, #tpu.memory_space<vmem>>) semaphore(%run_scoped3A_280 : memref<!tpu.dma_semaphore, #tpu.memory_space<semaphore_mem>>) {add = true}
        %dma_wait3A_287 = arith.constant 0 : i32
        %dma_wait3A_288 = tpu.memref_slice %arg8[%add3A_279, %dma_wait3A_287] : memref<160x64xi32, #tpu.memory_space<vmem>> -> memref<1x64xi32, #tpu.memory_space<vmem>>
        %dma_wait3A_289 = tpu.memref_squeeze %dma_wait3A_288 : memref<1x64xi32, #tpu.memory_space<vmem>> -> memref<64xi32, #tpu.memory_space<vmem>>
        %dma_wait3A_290 = arith.constant 0 : i32
        %dma_wait3A_291 = arith.constant 0 : i32
        %dma_wait3A_292 = tpu.memref_slice %arg13[%dma_wait3A_290, %dma_wait3A_291] : memref<10112x128xf32, #tpu.memory_space<vmem_shared>> -> memref<10112x128xf32, #tpu.memory_space<vmem_shared>>
        tpu.wait_indirect_dma semaphore(%run_scoped3A_280 : memref<!tpu.dma_semaphore, #tpu.memory_space<semaphore_mem>>) src(%arg12 : memref<64x128xf32, #tpu.memory_space<vmem>>) dst(%dma_wait3A_292 : memref<10112x128xf32, #tpu.memory_space<vmem_shared>>)
        tpu.yield
      }) : () -> ()
    }
    %scan3A_52 = arith.constant 79 : i32
    %get3A_53 = arith.constant 10176 : index
    %get3A_54 = tpu.vector_load %arg7[%get3A_53] {strides = array<i32>} : memref<10240xi32, #tpu.memory_space<vmem>>, vector<16xi32>,
    %mul3A_55 = arith.constant 2 : i32
    %mul3A_56 = vector.broadcast %mul3A_55 : i32 to vector<16xi32>
    %mul3A_57 = arith.muli %get3A_54, %mul3A_56 : vector<16xi32>
    %add3A_58 = vector.broadcast %arg0 : i32 to vector<16xi32>
    %add3A_59 = arith.addi %mul3A_57, %add3A_58 : vector<16xi32>
    %swap3A_60 = arith.constant 0 : i32
    %swap3A_61 = arith.index_cast %swap3A_60 : i32 to index
    %swap3A_62 = arith.constant 0 : index
    %swap3A_63 = tpu.vector_load %arg10[%swap3A_61, %swap3A_62] {strides = array<i32>} : memref<1x64xi32, #tpu.memory_space<vmem>>, vector<16xi32>,
    tpu.vector_store %arg10[%swap3A_61, %swap3A_62], %add3A_59 {strides = array<i32>} : memref<1x64xi32, #tpu.memory_space<vmem>>, vector<16xi32>,
    %get3A_64 = arith.constant 10192 : index
    %get3A_65 = tpu.vector_load %arg7[%get3A_64] {strides = array<i32>} : memref<10240xi32, #tpu.memory_space<vmem>>, vector<16xi32>,
    %mul3A_66 = arith.constant 2 : i32
    %mul3A_67 = vector.broadcast %mul3A_66 : i32 to vector<16xi32>
    %mul3A_68 = arith.muli %get3A_65, %mul3A_67 : vector<16xi32>
    %add3A_69 = vector.broadcast %arg0 : i32 to vector<16xi32>
    %add3A_70 = arith.addi %mul3A_68, %add3A_69 : vector<16xi32>
    %swap3A_71 = arith.constant 0 : i32
    %swap3A_72 = arith.index_cast %swap3A_71 : i32 to index
    %swap3A_73 = arith.constant 16 : index
    %swap3A_74 = tpu.vector_load %arg10[%swap3A_72, %swap3A_73] {strides = array<i32>} : memref<1x64xi32, #tpu.memory_space<vmem>>, vector<16xi32>,
    tpu.vector_store %arg10[%swap3A_72, %swap3A_73], %add3A_70 {strides = array<i32>} : memref<1x64xi32, #tpu.memory_space<vmem>>, vector<16xi32>,
    %get3A_75 = arith.constant 10208 : index
    %get3A_76 = tpu.vector_load %arg7[%get3A_75] {strides = array<i32>} : memref<10240xi32, #tpu.memory_space<vmem>>, vector<16xi32>,
    %mul3A_77 = arith.constant 2 : i32
    %mul3A_78 = vector.broadcast %mul3A_77 : i32 to vector<16xi32>
    %mul3A_79 = arith.muli %get3A_76, %mul3A_78 : vector<16xi32>
    %add3A_80 = vector.broadcast %arg0 : i32 to vector<16xi32>
    %add3A_81 = arith.addi %mul3A_79, %add3A_80 : vector<16xi32>
    %swap3A_82 = arith.constant 0 : i32
    %swap3A_83 = arith.index_cast %swap3A_82 : i32 to index
    %swap3A_84 = arith.constant 32 : index
    %swap3A_85 = tpu.vector_load %arg10[%swap3A_83, %swap3A_84] {strides = array<i32>} : memref<1x64xi32, #tpu.memory_space<vmem>>, vector<16xi32>,
    tpu.vector_store %arg10[%swap3A_83, %swap3A_84], %add3A_81 {strides = array<i32>} : memref<1x64xi32, #tpu.memory_space<vmem>>, vector<16xi32>,
    %get3A_86 = arith.constant 10224 : index
    %get3A_87 = tpu.vector_load %arg7[%get3A_86] {strides = array<i32>} : memref<10240xi32, #tpu.memory_space<vmem>>, vector<16xi32>,
    %mul3A_88 = arith.constant 2 : i32
    %mul3A_89 = vector.broadcast %mul3A_88 : i32 to vector<16xi32>
    %mul3A_90 = arith.muli %get3A_87, %mul3A_89 : vector<16xi32>
    %add3A_91 = vector.broadcast %arg0 : i32 to vector<16xi32>
    %add3A_92 = arith.addi %mul3A_90, %add3A_91 : vector<16xi32>
    %swap3A_93 = arith.constant 0 : i32
    %swap3A_94 = arith.index_cast %swap3A_93 : i32 to index
    %swap3A_95 = arith.constant 48 : index
    %swap3A_96 = tpu.vector_load %arg10[%swap3A_94, %swap3A_95] {strides = array<i32>} : memref<1x64xi32, #tpu.memory_space<vmem>>, vector<16xi32>,
    tpu.vector_store %arg10[%swap3A_94, %swap3A_95], %add3A_92 {strides = array<i32>} : memref<1x64xi32, #tpu.memory_space<vmem>>, vector<16xi32>,
    %dma_start3A_97 = arith.constant 0 : i32
    %dma_start3A_98 = arith.constant 0 : i32
    %dma_start3A_99 = tpu.memref_slice %arg10[%dma_start3A_97, %dma_start3A_98] : memref<1x64xi32, #tpu.memory_space<vmem>> -> memref<1x64xi32, #tpu.memory_space<vmem>>
    %dma_start3A_100 = tpu.memref_squeeze %dma_start3A_99 : memref<1x64xi32, #tpu.memory_space<vmem>> -> memref<64xi32, #tpu.memory_space<vmem>>
    %dma_start3A_101 = arith.constant 0 : i32
    %dma_start3A_102 = arith.constant 0 : i32
    %dma_start3A_103 = tpu.memref_slice %arg2[%dma_start3A_101, %dma_start3A_102] : memref<20000x128xf32, #tpu.memory_space<hbm>> -> memref<20000x128xf32, #tpu.memory_space<hbm>>
    tpu.enqueue_indirect_dma source(%dma_start3A_103 : memref<20000x128xf32, #tpu.memory_space<hbm>>) target(%arg12 : memref<64x128xf32, #tpu.memory_space<vmem>>) offsets(%dma_start3A_100 : memref<64xi32, #tpu.memory_space<vmem>>) semaphore(%arg15 : memref<!tpu.dma_semaphore, #tpu.memory_space<semaphore_mem>>)
    %dma_wait3A = arith.constant 0 : i32
    %dma_wait3A_104 = arith.constant 0 : i32
    %dma_wait3A_105 = tpu.memref_slice %arg9[%dma_wait3A, %dma_wait3A_104] : memref<1x64xi32, #tpu.memory_space<vmem>> -> memref<1x64xi32, #tpu.memory_space<vmem>>
    %dma_wait3A_106 = tpu.memref_squeeze %dma_wait3A_105 : memref<1x64xi32, #tpu.memory_space<vmem>> -> memref<64xi32, #tpu.memory_space<vmem>>
    %dma_wait3A_107 = arith.constant 0 : i32
    %dma_wait3A_108 = arith.constant 0 : i32
    %dma_wait3A_109 = tpu.memref_slice %arg2[%dma_wait3A_107, %dma_wait3A_108] : memref<20000x128xf32, #tpu.memory_space<hbm>> -> memref<20000x128xf32, #tpu.memory_space<hbm>>
    tpu.wait_indirect_dma semaphore(%arg14 : memref<!tpu.dma_semaphore, #tpu.memory_space<semaphore_mem>>) src(%dma_wait3A_109 : memref<20000x128xf32, #tpu.memory_space<hbm>>) dst(%arg11 : memref<64x128xf32, #tpu.memory_space<vmem>>)
    %run_scoped3A = arith.constant 158 : i32
    "tpu.region"() ({
      %run_scoped3A_123 = tpu.sem_alloc : memref<!tpu.dma_semaphore, #tpu.memory_space<semaphore_mem>>
      %dma_start3A_124 = arith.constant 0 : i32
      %dma_start3A_125 = tpu.memref_slice %arg8[%run_scoped3A, %dma_start3A_124] : memref<160x64xi32, #tpu.memory_space<vmem>> -> memref<1x64xi32, #tpu.memory_space<vmem>>
      %dma_start3A_126 = tpu.memref_squeeze %dma_start3A_125 : memref<1x64xi32, #tpu.memory_space<vmem>> -> memref<64xi32, #tpu.memory_space<vmem>>
      %dma_start3A_127 = arith.constant 0 : i32
      %dma_start3A_128 = arith.constant 0 : i32
      %dma_start3A_129 = tpu.memref_slice %arg13[%dma_start3A_127, %dma_start3A_128] : memref<10112x128xf32, #tpu.memory_space<vmem_shared>> -> memref<10112x128xf32, #tpu.memory_space<vmem_shared>>
      tpu.enqueue_indirect_dma source(%arg11 : memref<64x128xf32, #tpu.memory_space<vmem>>) target(%dma_start3A_129 : memref<10112x128xf32, #tpu.memory_space<vmem_shared>>) offsets(%dma_start3A_126 : memref<64xi32, #tpu.memory_space<vmem>>) semaphore(%run_scoped3A_123 : memref<!tpu.dma_semaphore, #tpu.memory_space<semaphore_mem>>) {add = true}
      %dma_wait3A_130 = arith.constant 0 : i32
      %dma_wait3A_131 = tpu.memref_slice %arg8[%run_scoped3A, %dma_wait3A_130] : memref<160x64xi32, #tpu.memory_space<vmem>> -> memref<1x64xi32, #tpu.memory_space<vmem>>
      %dma_wait3A_132 = tpu.memref_squeeze %dma_wait3A_131 : memref<1x64xi32, #tpu.memory_space<vmem>> -> memref<64xi32, #tpu.memory_space<vmem>>
      %dma_wait3A_133 = arith.constant 0 : i32
      %dma_wait3A_134 = arith.constant 0 : i32
      %dma_wait3A_135 = tpu.memref_slice %arg13[%dma_wait3A_133, %dma_wait3A_134] : memref<10112x128xf32, #tpu.memory_space<vmem_shared>> -> memref<10112x128xf32, #tpu.memory_space<vmem_shared>>
      tpu.wait_indirect_dma semaphore(%run_scoped3A_123 : memref<!tpu.dma_semaphore, #tpu.memory_space<semaphore_mem>>) src(%arg11 : memref<64x128xf32, #tpu.memory_space<vmem>>) dst(%dma_wait3A_135 : memref<10112x128xf32, #tpu.memory_space<vmem_shared>>)
      tpu.yield
    }) : () -> ()
    %dma_wait3A_110 = arith.constant 0 : i32
    %dma_wait3A_111 = arith.constant 0 : i32
    %dma_wait3A_112 = tpu.memref_slice %arg10[%dma_wait3A_110, %dma_wait3A_111] : memref<1x64xi32, #tpu.memory_space<vmem>> -> memref<1x64xi32, #tpu.memory_space<vmem>>
    %dma_wait3A_113 = tpu.memref_squeeze %dma_wait3A_112 : memref<1x64xi32, #tpu.memory_space<vmem>> -> memref<64xi32, #tpu.memory_space<vmem>>
    %dma_wait3A_114 = arith.constant 0 : i32
    %dma_wait3A_115 = arith.constant 0 : i32
    %dma_wait3A_116 = tpu.memref_slice %arg2[%dma_wait3A_114, %dma_wait3A_115] : memref<20000x128xf32, #tpu.memory_space<hbm>> -> memref<20000x128xf32, #tpu.memory_space<hbm>>
    tpu.wait_indirect_dma semaphore(%arg15 : memref<!tpu.dma_semaphore, #tpu.memory_space<semaphore_mem>>) src(%dma_wait3A_116 : memref<20000x128xf32, #tpu.memory_space<hbm>>) dst(%arg12 : memref<64x128xf32, #tpu.memory_space<vmem>>)
    %run_scoped3A_117 = arith.constant 159 : i32
    "tpu.region"() ({
      %run_scoped3A_123 = tpu.sem_alloc : memref<!tpu.dma_semaphore, #tpu.memory_space<semaphore_mem>>
      %dma_start3A_124 = arith.constant 0 : i32
      %dma_start3A_125 = tpu.memref_slice %arg8[%run_scoped3A_117, %dma_start3A_124] : memref<160x64xi32, #tpu.memory_space<vmem>> -> memref<1x64xi32, #tpu.memory_space<vmem>>
      %dma_start3A_126 = tpu.memref_squeeze %dma_start3A_125 : memref<1x64xi32, #tpu.memory_space<vmem>> -> memref<64xi32, #tpu.memory_space<vmem>>
      %dma_start3A_127 = arith.constant 0 : i32
      %dma_start3A_128 = arith.constant 0 : i32
      %dma_start3A_129 = tpu.memref_slice %arg13[%dma_start3A_127, %dma_start3A_128] : memref<10112x128xf32, #tpu.memory_space<vmem_shared>> -> memref<10112x128xf32, #tpu.memory_space<vmem_shared>>
      tpu.enqueue_indirect_dma source(%arg12 : memref<64x128xf32, #tpu.memory_space<vmem>>) target(%dma_start3A_129 : memref<10112x128xf32, #tpu.memory_space<vmem_shared>>) offsets(%dma_start3A_126 : memref<64xi32, #tpu.memory_space<vmem>>) semaphore(%run_scoped3A_123 : memref<!tpu.dma_semaphore, #tpu.memory_space<semaphore_mem>>) {add = true}
      %dma_wait3A_130 = arith.constant 0 : i32
      %dma_wait3A_131 = tpu.memref_slice %arg8[%run_scoped3A_117, %dma_wait3A_130] : memref<160x64xi32, #tpu.memory_space<vmem>> -> memref<1x64xi32, #tpu.memory_space<vmem>>
      %dma_wait3A_132 = tpu.memref_squeeze %dma_wait3A_131 : memref<1x64xi32, #tpu.memory_space<vmem>> -> memref<64xi32, #tpu.memory_space<vmem>>
      %dma_wait3A_133 = arith.constant 0 : i32
      %dma_wait3A_134 = arith.constant 0 : i32
      %dma_wait3A_135 = tpu.memref_slice %arg13[%dma_wait3A_133, %dma_wait3A_134] : memref<10112x128xf32, #tpu.memory_space<vmem_shared>> -> memref<10112x128xf32, #tpu.memory_space<vmem_shared>>
      tpu.wait_indirect_dma semaphore(%run_scoped3A_123 : memref<!tpu.dma_semaphore, #tpu.memory_space<semaphore_mem>>) src(%arg12 : memref<64x128xf32, #tpu.memory_space<vmem>>) dst(%dma_wait3A_135 : memref<10112x128xf32, #tpu.memory_space<vmem_shared>>)
      tpu.yield
    }) : () -> ()
    %barrier3A_118 = arith.constant 0 : index
    tpu.barrier barrier_id(%barrier3A_118)
    %mul3A_119 = arith.constant 632 : i32
    %mul3A_120 = arith.muli %arg1, %mul3A_119 : i32
    %mul3A_121 = arith.constant 632 : i32
    %mul3A_122 = arith.muli %arg1, %mul3A_121 : i32
    "tpu.region"() ({
      %run_scoped3A_123 = tpu.sem_alloc : memref<!tpu.dma_semaphore, #tpu.memory_space<semaphore_mem>>
      %dma_start3A_124 = arith.constant 0 : i32
      %dma_start3A_125 = tpu.memref_slice %arg6[%arg0, %mul3A_122, %dma_start3A_124] : memref<2x10112x128xf32, #tpu.memory_space<hbm>> -> memref<1x632x128xf32, #tpu.memory_space<hbm>>
      %dma_start3A_126 = tpu.memref_squeeze %dma_start3A_125 : memref<1x632x128xf32, #tpu.memory_space<hbm>> -> memref<632x128xf32, #tpu.memory_space<hbm>>
      %dma_start3A_127 = arith.constant 0 : i32
      %dma_start3A_128 = tpu.memref_slice %arg13[%mul3A_120, %dma_start3A_127] : memref<10112x128xf32, #tpu.memory_space<vmem_shared>> -> memref<632x128xf32, #tpu.memory_space<vmem_shared>>
      tpu.enqueue_dma source(%dma_start3A_128 : memref<632x128xf32, #tpu.memory_space<vmem_shared>>) target(%dma_start3A_126 : memref<632x128xf32, #tpu.memory_space<hbm>>) target_semaphore(%run_scoped3A_123 : memref<!tpu.dma_semaphore, #tpu.memory_space<semaphore_mem>>)
      %dma_wait3A_129 = arith.constant 0 : i32
      %dma_wait3A_130 = tpu.memref_slice %arg6[%arg0, %mul3A_122, %dma_wait3A_129] : memref<2x10112x128xf32, #tpu.memory_space<hbm>> -> memref<1x632x128xf32, #tpu.memory_space<hbm>>
      %dma_wait3A_131 = tpu.memref_squeeze %dma_wait3A_130 : memref<1x632x128xf32, #tpu.memory_space<hbm>> -> memref<632x128xf32, #tpu.memory_space<hbm>>
      %dma_wait3A_132 = arith.constant 0 : i32
      %dma_wait3A_133 = tpu.memref_slice %arg13[%mul3A_120, %dma_wait3A_132] : memref<10112x128xf32, #tpu.memory_space<vmem_shared>> -> memref<632x128xf32, #tpu.memory_space<vmem_shared>>
      tpu.wait_dma2 semaphore(%run_scoped3A_123 : memref<!tpu.dma_semaphore, #tpu.memory_space<semaphore_mem>>) src(%dma_wait3A_133 : memref<632x128xf32, #tpu.memory_space<vmem_shared>>) dst(%dma_wait3A_131 : memref<632x128xf32, #tpu.memory_space<hbm>>)
      tpu.yield
    }) : () -> ()
    return
  }
}

#map = affine_map<(d0, d1) -> (0)>
#map1 = affine_map<(d0, d1) -> (0, 0)>
module attributes {stable_mosaic.version = 14 : i64} {
  func.func @_counts_body(%arg0: i32, %arg1: i32, %arg2: memref<163840xi32, #tpu.memory_space<hbm>>, %arg3: memref<10112xi32, #tpu.memory_space<hbm>>, %arg4: memref<32x10112xi32, #tpu.memory_space<hbm>>, %arg5: memref<10112xi32, #tpu.memory_space<vmem>>, %arg6: memref<5120xi32, #tpu.memory_space<vmem>>) attributes {dimension_semantics = [#tpu.dimension_semantics<core_parallel>, #tpu.dimension_semantics<subcore_parallel>], iteration_bounds = array<i64: 2, 16>, scalar_prefetch = 0 : i64, scratch_operands = 2 : i64, tpu.core_type = #tpu.core_type<sc_vector_subcore>, window_params = [{transform_indices = #map}, {transform_indices = #map}, {transform_indices = #map1}]} {
    %mul3A = arith.constant 2 : i32
    %mul3A_0 = arith.muli %arg1, %mul3A : i32
    %add3A = arith.addi %mul3A_0, %arg0 : i32
    "tpu.region"() ({
      %run_scoped3A = tpu.sem_alloc : memref<!tpu.dma_semaphore, #tpu.memory_space<semaphore_mem>>
      tpu.enqueue_dma source(%arg3 : memref<10112xi32, #tpu.memory_space<hbm>>) target(%arg5 : memref<10112xi32, #tpu.memory_space<vmem>>) target_semaphore(%run_scoped3A : memref<!tpu.dma_semaphore, #tpu.memory_space<semaphore_mem>>)
      tpu.wait_dma2 semaphore(%run_scoped3A : memref<!tpu.dma_semaphore, #tpu.memory_space<semaphore_mem>>) src(%arg3 : memref<10112xi32, #tpu.memory_space<hbm>>) dst(%arg5 : memref<10112xi32, #tpu.memory_space<vmem>>)
      tpu.yield
    }) : () -> ()
    %mul3A_1 = arith.constant 5120 : i32
    %mul3A_2 = arith.muli %add3A, %mul3A_1 : i32
    "tpu.region"() ({
      %run_scoped3A = tpu.sem_alloc : memref<!tpu.dma_semaphore, #tpu.memory_space<semaphore_mem>>
      %dma_start3A = tpu.memref_slice %arg2[%mul3A_2] : memref<163840xi32, #tpu.memory_space<hbm>> -> memref<5120xi32, #tpu.memory_space<hbm>>
      %dma_start3A_9 = tpu.memref_slice %arg2[%mul3A_2] : memref<163840xi32, #tpu.memory_space<hbm>> -> memref<5120xi32, #tpu.memory_space<hbm>>
      tpu.enqueue_dma source(%dma_start3A_9 : memref<5120xi32, #tpu.memory_space<hbm>>) target(%arg6 : memref<5120xi32, #tpu.memory_space<vmem>>) target_semaphore(%run_scoped3A : memref<!tpu.dma_semaphore, #tpu.memory_space<semaphore_mem>>)
      %dma_wait3A = tpu.memref_slice %arg2[%mul3A_2] : memref<163840xi32, #tpu.memory_space<hbm>> -> memref<5120xi32, #tpu.memory_space<hbm>>
      %dma_wait3A_10 = tpu.memref_slice %arg2[%mul3A_2] : memref<163840xi32, #tpu.memory_space<hbm>> -> memref<5120xi32, #tpu.memory_space<hbm>>
      tpu.wait_dma2 semaphore(%run_scoped3A : memref<!tpu.dma_semaphore, #tpu.memory_space<semaphore_mem>>) src(%dma_wait3A_10 : memref<5120xi32, #tpu.memory_space<hbm>>) dst(%arg6 : memref<5120xi32, #tpu.memory_space<vmem>>)
      tpu.yield
    }) : () -> ()
    %broadcast_in_dim3A = arith.constant 1 : i32
    %broadcast_in_dim3A_3 = vector.broadcast %broadcast_in_dim3A : i32 to vector<16xi32>
    %scan3A = arith.constant 0 : i32
    %scan3A_4 = arith.constant 0 : i32
    %scan3A_5 = arith.constant 320 : i32
    %scan3A_6 = arith.addi %scan3A_4, %scan3A_5 : i32
    %scan3A_7 = arith.constant 1 : i32
    scf.for %scan3A_9 = %scan3A_4 to %scan3A_6 step %scan3A_7  : i32 {
      %mul3A_10 = arith.constant 16 : i32
      %mul3A_11 = arith.muli %scan3A_9, %mul3A_10 : i32
      %get3A = arith.index_cast %mul3A_11 : i32 to index
      %get3A_12 = tpu.vector_load %arg6[%get3A] {strides = array<i32>} : memref<5120xi32, #tpu.memory_space<vmem>>, vector<16xi32>,
      tpu.vector_store_idx %arg5[%get3A_12], %broadcast_in_dim3A_3 {add = true} : memref<10112xi32, #tpu.memory_space<vmem>>[vector<16xi32>], vector<16xi32>,
    }
    %scan3A_8 = arith.constant 320 : i32
    "tpu.region"() ({
      %run_scoped3A = tpu.sem_alloc : memref<!tpu.dma_semaphore, #tpu.memory_space<semaphore_mem>>
      %dma_start3A = arith.constant 0 : i32
      %dma_start3A_9 = tpu.memref_slice %arg4[%add3A, %dma_start3A] : memref<32x10112xi32, #tpu.memory_space<hbm>> -> memref<1x10112xi32, #tpu.memory_space<hbm>>
      %dma_start3A_10 = tpu.memref_squeeze %dma_start3A_9 : memref<1x10112xi32, #tpu.memory_space<hbm>> -> memref<10112xi32, #tpu.memory_space<hbm>>
      %dma_start3A_11 = arith.constant 0 : i32
      %dma_start3A_12 = tpu.memref_slice %arg4[%add3A, %dma_start3A_11] : memref<32x10112xi32, #tpu.memory_space<hbm>> -> memref<1x10112xi32, #tpu.memory_space<hbm>>
      %dma_start3A_13 = tpu.memref_squeeze %dma_start3A_12 : memref<1x10112xi32, #tpu.memory_space<hbm>> -> memref<10112xi32, #tpu.memory_space<hbm>>
      tpu.enqueue_dma source(%arg5 : memref<10112xi32, #tpu.memory_space<vmem>>) target(%dma_start3A_13 : memref<10112xi32, #tpu.memory_space<hbm>>) target_semaphore(%run_scoped3A : memref<!tpu.dma_semaphore, #tpu.memory_space<semaphore_mem>>)
      %dma_wait3A = arith.constant 0 : i32
      %dma_wait3A_14 = tpu.memref_slice %arg4[%add3A, %dma_wait3A] : memref<32x10112xi32, #tpu.memory_space<hbm>> -> memref<1x10112xi32, #tpu.memory_space<hbm>>
      %dma_wait3A_15 = tpu.memref_squeeze %dma_wait3A_14 : memref<1x10112xi32, #tpu.memory_space<hbm>> -> memref<10112xi32, #tpu.memory_space<hbm>>
      %dma_wait3A_16 = arith.constant 0 : i32
      %dma_wait3A_17 = tpu.memref_slice %arg4[%add3A, %dma_wait3A_16] : memref<32x10112xi32, #tpu.memory_space<hbm>> -> memref<1x10112xi32, #tpu.memory_space<hbm>>
      %dma_wait3A_18 = tpu.memref_squeeze %dma_wait3A_17 : memref<1x10112xi32, #tpu.memory_space<hbm>> -> memref<10112xi32, #tpu.memory_space<hbm>>
      tpu.wait_dma2 semaphore(%run_scoped3A : memref<!tpu.dma_semaphore, #tpu.memory_space<semaphore_mem>>) src(%arg5 : memref<10112xi32, #tpu.memory_space<vmem>>) dst(%dma_wait3A_18 : memref<10112xi32, #tpu.memory_space<hbm>>)
      tpu.yield
    }) : () -> ()
    return
  }
}

#map = affine_map<(d0, d1) -> (0, 0)>
#map1 = affine_map<(d0, d1) -> (0)>
module attributes {stable_mosaic.version = 14 : i64} {
  func.func @_maxpool_body(%arg0: i32, %arg1: i32, %arg2: memref<64x10112xf32, #tpu.memory_space<hbm>>, %arg3: memref<163840xi32, #tpu.memory_space<hbm>>, %arg4: memref<163840xi32, #tpu.memory_space<hbm>>, %arg5: memref<2x647168xf32, #tpu.memory_space<hbm>>, %arg6: memref<10112xf32, #tpu.memory_space<vmem>>, %arg7: memref<10112xf32, #tpu.memory_space<vmem>>, %arg8: memref<10112xf32, #tpu.memory_space<vmem>>, %arg9: memref<10112xf32, #tpu.memory_space<vmem>>, %arg10: memref<10112xf32, #tpu.memory_space<vmem>>, %arg11: memref<10112xf32, #tpu.memory_space<vmem>>, %arg12: memref<10112xf32, #tpu.memory_space<vmem>>, %arg13: memref<10112xf32, #tpu.memory_space<vmem>>, %arg14: memref<4096xi32, #tpu.memory_space<vmem>>, %arg15: memref<4096xi32, #tpu.memory_space<vmem>>) attributes {dimension_semantics = [#tpu.dimension_semantics<core_parallel>, #tpu.dimension_semantics<subcore_parallel>], iteration_bounds = array<i64: 2, 16>, scalar_prefetch = 0 : i64, scratch_operands = 10 : i64, tpu.core_type = #tpu.core_type<sc_vector_subcore>, window_params = [{transform_indices = #map}, {transform_indices = #map1}, {transform_indices = #map1}, {transform_indices = #map}]} {
    %mul3A = arith.constant 4 : i32
    %mul3A_0 = arith.muli %arg1, %mul3A : i32
    %add3A = arith.constant 0 : i32
    %add3A_1 = arith.addi %mul3A_0, %add3A : i32
    "tpu.region"() ({
      %run_scoped3A = tpu.sem_alloc : memref<!tpu.dma_semaphore, #tpu.memory_space<semaphore_mem>>
      %dma_start3A = arith.constant 0 : i32
      %dma_start3A_61 = tpu.memref_slice %arg2[%add3A_1, %dma_start3A] : memref<64x10112xf32, #tpu.memory_space<hbm>> -> memref<1x10112xf32, #tpu.memory_space<hbm>>
      %dma_start3A_62 = tpu.memref_squeeze %dma_start3A_61 : memref<1x10112xf32, #tpu.memory_space<hbm>> -> memref<10112xf32, #tpu.memory_space<hbm>>
      %dma_start3A_63 = arith.constant 0 : i32
      %dma_start3A_64 = tpu.memref_slice %arg2[%add3A_1, %dma_start3A_63] : memref<64x10112xf32, #tpu.memory_space<hbm>> -> memref<1x10112xf32, #tpu.memory_space<hbm>>
      %dma_start3A_65 = tpu.memref_squeeze %dma_start3A_64 : memref<1x10112xf32, #tpu.memory_space<hbm>> -> memref<10112xf32, #tpu.memory_space<hbm>>
      tpu.enqueue_dma source(%dma_start3A_65 : memref<10112xf32, #tpu.memory_space<hbm>>) target(%arg6 : memref<10112xf32, #tpu.memory_space<vmem>>) target_semaphore(%run_scoped3A : memref<!tpu.dma_semaphore, #tpu.memory_space<semaphore_mem>>)
      %dma_wait3A = arith.constant 0 : i32
      %dma_wait3A_66 = tpu.memref_slice %arg2[%add3A_1, %dma_wait3A] : memref<64x10112xf32, #tpu.memory_space<hbm>> -> memref<1x10112xf32, #tpu.memory_space<hbm>>
      %dma_wait3A_67 = tpu.memref_squeeze %dma_wait3A_66 : memref<1x10112xf32, #tpu.memory_space<hbm>> -> memref<10112xf32, #tpu.memory_space<hbm>>
      %dma_wait3A_68 = arith.constant 0 : i32
      %dma_wait3A_69 = tpu.memref_slice %arg2[%add3A_1, %dma_wait3A_68] : memref<64x10112xf32, #tpu.memory_space<hbm>> -> memref<1x10112xf32, #tpu.memory_space<hbm>>
      %dma_wait3A_70 = tpu.memref_squeeze %dma_wait3A_69 : memref<1x10112xf32, #tpu.memory_space<hbm>> -> memref<10112xf32, #tpu.memory_space<hbm>>
      tpu.wait_dma2 semaphore(%run_scoped3A : memref<!tpu.dma_semaphore, #tpu.memory_space<semaphore_mem>>) src(%dma_wait3A_70 : memref<10112xf32, #tpu.memory_space<hbm>>) dst(%arg6 : memref<10112xf32, #tpu.memory_space<vmem>>)
      tpu.yield
    }) : () -> ()
    %mul3A_2 = arith.constant 4 : i32
    %mul3A_3 = arith.muli %arg1, %mul3A_2 : i32
    %add3A_4 = arith.constant 0 : i32
    %add3A_5 = arith.addi %mul3A_3, %add3A_4 : i32
    "tpu.region"() ({
      %run_scoped3A = tpu.sem_alloc : memref<!tpu.dma_semaphore, #tpu.memory_space<semaphore_mem>>
      %dma_start3A = arith.constant 0 : i32
      %dma_start3A_61 = tpu.memref_slice %arg2[%add3A_5, %dma_start3A] : memref<64x10112xf32, #tpu.memory_space<hbm>> -> memref<1x10112xf32, #tpu.memory_space<hbm>>
      %dma_start3A_62 = tpu.memref_squeeze %dma_start3A_61 : memref<1x10112xf32, #tpu.memory_space<hbm>> -> memref<10112xf32, #tpu.memory_space<hbm>>
      %dma_start3A_63 = arith.constant 0 : i32
      %dma_start3A_64 = tpu.memref_slice %arg2[%add3A_5, %dma_start3A_63] : memref<64x10112xf32, #tpu.memory_space<hbm>> -> memref<1x10112xf32, #tpu.memory_space<hbm>>
      %dma_start3A_65 = tpu.memref_squeeze %dma_start3A_64 : memref<1x10112xf32, #tpu.memory_space<hbm>> -> memref<10112xf32, #tpu.memory_space<hbm>>
      tpu.enqueue_dma source(%dma_start3A_65 : memref<10112xf32, #tpu.memory_space<hbm>>) target(%arg10 : memref<10112xf32, #tpu.memory_space<vmem>>) target_semaphore(%run_scoped3A : memref<!tpu.dma_semaphore, #tpu.memory_space<semaphore_mem>>)
      %dma_wait3A = arith.constant 0 : i32
      %dma_wait3A_66 = tpu.memref_slice %arg2[%add3A_5, %dma_wait3A] : memref<64x10112xf32, #tpu.memory_space<hbm>> -> memref<1x10112xf32, #tpu.memory_space<hbm>>
      %dma_wait3A_67 = tpu.memref_squeeze %dma_wait3A_66 : memref<1x10112xf32, #tpu.memory_space<hbm>> -> memref<10112xf32, #tpu.memory_space<hbm>>
      %dma_wait3A_68 = arith.constant 0 : i32
      %dma_wait3A_69 = tpu.memref_slice %arg2[%add3A_5, %dma_wait3A_68] : memref<64x10112xf32, #tpu.memory_space<hbm>> -> memref<1x10112xf32, #tpu.memory_space<hbm>>
      %dma_wait3A_70 = tpu.memref_squeeze %dma_wait3A_69 : memref<1x10112xf32, #tpu.memory_space<hbm>> -> memref<10112xf32, #tpu.memory_space<hbm>>
      tpu.wait_dma2 semaphore(%run_scoped3A : memref<!tpu.dma_semaphore, #tpu.memory_space<semaphore_mem>>) src(%dma_wait3A_70 : memref<10112xf32, #tpu.memory_space<hbm>>) dst(%arg10 : memref<10112xf32, #tpu.memory_space<vmem>>)
      tpu.yield
    }) : () -> ()
    %mul3A_6 = arith.constant 4 : i32
    %mul3A_7 = arith.muli %arg1, %mul3A_6 : i32
    %add3A_8 = arith.constant 1 : i32
    %add3A_9 = arith.addi %mul3A_7, %add3A_8 : i32
    "tpu.region"() ({
      %run_scoped3A = tpu.sem_alloc : memref<!tpu.dma_semaphore, #tpu.memory_space<semaphore_mem>>
      %dma_start3A = arith.constant 0 : i32
      %dma_start3A_61 = tpu.memref_slice %arg2[%add3A_9, %dma_start3A] : memref<64x10112xf32, #tpu.memory_space<hbm>> -> memref<1x10112xf32, #tpu.memory_space<hbm>>
      %dma_start3A_62 = tpu.memref_squeeze %dma_start3A_61 : memref<1x10112xf32, #tpu.memory_space<hbm>> -> memref<10112xf32, #tpu.memory_space<hbm>>
      %dma_start3A_63 = arith.constant 0 : i32
      %dma_start3A_64 = tpu.memref_slice %arg2[%add3A_9, %dma_start3A_63] : memref<64x10112xf32, #tpu.memory_space<hbm>> -> memref<1x10112xf32, #tpu.memory_space<hbm>>
      %dma_start3A_65 = tpu.memref_squeeze %dma_start3A_64 : memref<1x10112xf32, #tpu.memory_space<hbm>> -> memref<10112xf32, #tpu.memory_space<hbm>>
      tpu.enqueue_dma source(%dma_start3A_65 : memref<10112xf32, #tpu.memory_space<hbm>>) target(%arg7 : memref<10112xf32, #tpu.memory_space<vmem>>) target_semaphore(%run_scoped3A : memref<!tpu.dma_semaphore, #tpu.memory_space<semaphore_mem>>)
      %dma_wait3A = arith.constant 0 : i32
      %dma_wait3A_66 = tpu.memref_slice %arg2[%add3A_9, %dma_wait3A] : memref<64x10112xf32, #tpu.memory_space<hbm>> -> memref<1x10112xf32, #tpu.memory_space<hbm>>
      %dma_wait3A_67 = tpu.memref_squeeze %dma_wait3A_66 : memref<1x10112xf32, #tpu.memory_space<hbm>> -> memref<10112xf32, #tpu.memory_space<hbm>>
      %dma_wait3A_68 = arith.constant 0 : i32
      %dma_wait3A_69 = tpu.memref_slice %arg2[%add3A_9, %dma_wait3A_68] : memref<64x10112xf32, #tpu.memory_space<hbm>> -> memref<1x10112xf32, #tpu.memory_space<hbm>>
      %dma_wait3A_70 = tpu.memref_squeeze %dma_wait3A_69 : memref<1x10112xf32, #tpu.memory_space<hbm>> -> memref<10112xf32, #tpu.memory_space<hbm>>
      tpu.wait_dma2 semaphore(%run_scoped3A : memref<!tpu.dma_semaphore, #tpu.memory_space<semaphore_mem>>) src(%dma_wait3A_70 : memref<10112xf32, #tpu.memory_space<hbm>>) dst(%arg7 : memref<10112xf32, #tpu.memory_space<vmem>>)
      tpu.yield
    }) : () -> ()
    %mul3A_10 = arith.constant 4 : i32
    %mul3A_11 = arith.muli %arg1, %mul3A_10 : i32
    %add3A_12 = arith.constant 1 : i32
    %add3A_13 = arith.addi %mul3A_11, %add3A_12 : i32
    "tpu.region"() ({
      %run_scoped3A = tpu.sem_alloc : memref<!tpu.dma_semaphore, #tpu.memory_space<semaphore_mem>>
      %dma_start3A = arith.constant 0 : i32
      %dma_start3A_61 = tpu.memref_slice %arg2[%add3A_13, %dma_start3A] : memref<64x10112xf32, #tpu.memory_space<hbm>> -> memref<1x10112xf32, #tpu.memory_space<hbm>>
      %dma_start3A_62 = tpu.memref_squeeze %dma_start3A_61 : memref<1x10112xf32, #tpu.memory_space<hbm>> -> memref<10112xf32, #tpu.memory_space<hbm>>
      %dma_start3A_63 = arith.constant 0 : i32
      %dma_start3A_64 = tpu.memref_slice %arg2[%add3A_13, %dma_start3A_63] : memref<64x10112xf32, #tpu.memory_space<hbm>> -> memref<1x10112xf32, #tpu.memory_space<hbm>>
      %dma_start3A_65 = tpu.memref_squeeze %dma_start3A_64 : memref<1x10112xf32, #tpu.memory_space<hbm>> -> memref<10112xf32, #tpu.memory_space<hbm>>
      tpu.enqueue_dma source(%dma_start3A_65 : memref<10112xf32, #tpu.memory_space<hbm>>) target(%arg11 : memref<10112xf32, #tpu.memory_space<vmem>>) target_semaphore(%run_scoped3A : memref<!tpu.dma_semaphore, #tpu.memory_space<semaphore_mem>>)
      %dma_wait3A = arith.constant 0 : i32
      %dma_wait3A_66 = tpu.memref_slice %arg2[%add3A_13, %dma_wait3A] : memref<64x10112xf32, #tpu.memory_space<hbm>> -> memref<1x10112xf32, #tpu.memory_space<hbm>>
      %dma_wait3A_67 = tpu.memref_squeeze %dma_wait3A_66 : memref<1x10112xf32, #tpu.memory_space<hbm>> -> memref<10112xf32, #tpu.memory_space<hbm>>
      %dma_wait3A_68 = arith.constant 0 : i32
      %dma_wait3A_69 = tpu.memref_slice %arg2[%add3A_13, %dma_wait3A_68] : memref<64x10112xf32, #tpu.memory_space<hbm>> -> memref<1x10112xf32, #tpu.memory_space<hbm>>
      %dma_wait3A_70 = tpu.memref_squeeze %dma_wait3A_69 : memref<1x10112xf32, #tpu.memory_space<hbm>> -> memref<10112xf32, #tpu.memory_space<hbm>>
      tpu.wait_dma2 semaphore(%run_scoped3A : memref<!tpu.dma_semaphore, #tpu.memory_space<semaphore_mem>>) src(%dma_wait3A_70 : memref<10112xf32, #tpu.memory_space<hbm>>) dst(%arg11 : memref<10112xf32, #tpu.memory_space<vmem>>)
      tpu.yield
    }) : () -> ()
    %mul3A_14 = arith.constant 4 : i32
    %mul3A_15 = arith.muli %arg1, %mul3A_14 : i32
    %add3A_16 = arith.constant 2 : i32
    %add3A_17 = arith.addi %mul3A_15, %add3A_16 : i32
    "tpu.region"() ({
      %run_scoped3A = tpu.sem_alloc : memref<!tpu.dma_semaphore, #tpu.memory_space<semaphore_mem>>
      %dma_start3A = arith.constant 0 : i32
      %dma_start3A_61 = tpu.memref_slice %arg2[%add3A_17, %dma_start3A] : memref<64x10112xf32, #tpu.memory_space<hbm>> -> memref<1x10112xf32, #tpu.memory_space<hbm>>
      %dma_start3A_62 = tpu.memref_squeeze %dma_start3A_61 : memref<1x10112xf32, #tpu.memory_space<hbm>> -> memref<10112xf32, #tpu.memory_space<hbm>>
      %dma_start3A_63 = arith.constant 0 : i32
      %dma_start3A_64 = tpu.memref_slice %arg2[%add3A_17, %dma_start3A_63] : memref<64x10112xf32, #tpu.memory_space<hbm>> -> memref<1x10112xf32, #tpu.memory_space<hbm>>
      %dma_start3A_65 = tpu.memref_squeeze %dma_start3A_64 : memref<1x10112xf32, #tpu.memory_space<hbm>> -> memref<10112xf32, #tpu.memory_space<hbm>>
      tpu.enqueue_dma source(%dma_start3A_65 : memref<10112xf32, #tpu.memory_space<hbm>>) target(%arg8 : memref<10112xf32, #tpu.memory_space<vmem>>) target_semaphore(%run_scoped3A : memref<!tpu.dma_semaphore, #tpu.memory_space<semaphore_mem>>)
      %dma_wait3A = arith.constant 0 : i32
      %dma_wait3A_66 = tpu.memref_slice %arg2[%add3A_17, %dma_wait3A] : memref<64x10112xf32, #tpu.memory_space<hbm>> -> memref<1x10112xf32, #tpu.memory_space<hbm>>
      %dma_wait3A_67 = tpu.memref_squeeze %dma_wait3A_66 : memref<1x10112xf32, #tpu.memory_space<hbm>> -> memref<10112xf32, #tpu.memory_space<hbm>>
      %dma_wait3A_68 = arith.constant 0 : i32
      %dma_wait3A_69 = tpu.memref_slice %arg2[%add3A_17, %dma_wait3A_68] : memref<64x10112xf32, #tpu.memory_space<hbm>> -> memref<1x10112xf32, #tpu.memory_space<hbm>>
      %dma_wait3A_70 = tpu.memref_squeeze %dma_wait3A_69 : memref<1x10112xf32, #tpu.memory_space<hbm>> -> memref<10112xf32, #tpu.memory_space<hbm>>
      tpu.wait_dma2 semaphore(%run_scoped3A : memref<!tpu.dma_semaphore, #tpu.memory_space<semaphore_mem>>) src(%dma_wait3A_70 : memref<10112xf32, #tpu.memory_space<hbm>>) dst(%arg8 : memref<10112xf32, #tpu.memory_space<vmem>>)
      tpu.yield
    }) : () -> ()
    %mul3A_18 = arith.constant 4 : i32
    %mul3A_19 = arith.muli %arg1, %mul3A_18 : i32
    %add3A_20 = arith.constant 2 : i32
    %add3A_21 = arith.addi %mul3A_19, %add3A_20 : i32
    "tpu.region"() ({
      %run_scoped3A = tpu.sem_alloc : memref<!tpu.dma_semaphore, #tpu.memory_space<semaphore_mem>>
      %dma_start3A = arith.constant 0 : i32
      %dma_start3A_61 = tpu.memref_slice %arg2[%add3A_21, %dma_start3A] : memref<64x10112xf32, #tpu.memory_space<hbm>> -> memref<1x10112xf32, #tpu.memory_space<hbm>>
      %dma_start3A_62 = tpu.memref_squeeze %dma_start3A_61 : memref<1x10112xf32, #tpu.memory_space<hbm>> -> memref<10112xf32, #tpu.memory_space<hbm>>
      %dma_start3A_63 = arith.constant 0 : i32
      %dma_start3A_64 = tpu.memref_slice %arg2[%add3A_21, %dma_start3A_63] : memref<64x10112xf32, #tpu.memory_space<hbm>> -> memref<1x10112xf32, #tpu.memory_space<hbm>>
      %dma_start3A_65 = tpu.memref_squeeze %dma_start3A_64 : memref<1x10112xf32, #tpu.memory_space<hbm>> -> memref<10112xf32, #tpu.memory_space<hbm>>
      tpu.enqueue_dma source(%dma_start3A_65 : memref<10112xf32, #tpu.memory_space<hbm>>) target(%arg12 : memref<10112xf32, #tpu.memory_space<vmem>>) target_semaphore(%run_scoped3A : memref<!tpu.dma_semaphore, #tpu.memory_space<semaphore_mem>>)
      %dma_wait3A = arith.constant 0 : i32
      %dma_wait3A_66 = tpu.memref_slice %arg2[%add3A_21, %dma_wait3A] : memref<64x10112xf32, #tpu.memory_space<hbm>> -> memref<1x10112xf32, #tpu.memory_space<hbm>>
      %dma_wait3A_67 = tpu.memref_squeeze %dma_wait3A_66 : memref<1x10112xf32, #tpu.memory_space<hbm>> -> memref<10112xf32, #tpu.memory_space<hbm>>
      %dma_wait3A_68 = arith.constant 0 : i32
      %dma_wait3A_69 = tpu.memref_slice %arg2[%add3A_21, %dma_wait3A_68] : memref<64x10112xf32, #tpu.memory_space<hbm>> -> memref<1x10112xf32, #tpu.memory_space<hbm>>
      %dma_wait3A_70 = tpu.memref_squeeze %dma_wait3A_69 : memref<1x10112xf32, #tpu.memory_space<hbm>> -> memref<10112xf32, #tpu.memory_space<hbm>>
      tpu.wait_dma2 semaphore(%run_scoped3A : memref<!tpu.dma_semaphore, #tpu.memory_space<semaphore_mem>>) src(%dma_wait3A_70 : memref<10112xf32, #tpu.memory_space<hbm>>) dst(%arg12 : memref<10112xf32, #tpu.memory_space<vmem>>)
      tpu.yield
    }) : () -> ()
    %mul3A_22 = arith.constant 4 : i32
    %mul3A_23 = arith.muli %arg1, %mul3A_22 : i32
    %add3A_24 = arith.constant 3 : i32
    %add3A_25 = arith.addi %mul3A_23, %add3A_24 : i32
    "tpu.region"() ({
      %run_scoped3A = tpu.sem_alloc : memref<!tpu.dma_semaphore, #tpu.memory_space<semaphore_mem>>
      %dma_start3A = arith.constant 0 : i32
      %dma_start3A_61 = tpu.memref_slice %arg2[%add3A_25, %dma_start3A] : memref<64x10112xf32, #tpu.memory_space<hbm>> -> memref<1x10112xf32, #tpu.memory_space<hbm>>
      %dma_start3A_62 = tpu.memref_squeeze %dma_start3A_61 : memref<1x10112xf32, #tpu.memory_space<hbm>> -> memref<10112xf32, #tpu.memory_space<hbm>>
      %dma_start3A_63 = arith.constant 0 : i32
      %dma_start3A_64 = tpu.memref_slice %arg2[%add3A_25, %dma_start3A_63] : memref<64x10112xf32, #tpu.memory_space<hbm>> -> memref<1x10112xf32, #tpu.memory_space<hbm>>
      %dma_start3A_65 = tpu.memref_squeeze %dma_start3A_64 : memref<1x10112xf32, #tpu.memory_space<hbm>> -> memref<10112xf32, #tpu.memory_space<hbm>>
      tpu.enqueue_dma source(%dma_start3A_65 : memref<10112xf32, #tpu.memory_space<hbm>>) target(%arg9 : memref<10112xf32, #tpu.memory_space<vmem>>) target_semaphore(%run_scoped3A : memref<!tpu.dma_semaphore, #tpu.memory_space<semaphore_mem>>)
      %dma_wait3A = arith.constant 0 : i32
      %dma_wait3A_66 = tpu.memref_slice %arg2[%add3A_25, %dma_wait3A] : memref<64x10112xf32, #tpu.memory_space<hbm>> -> memref<1x10112xf32, #tpu.memory_space<hbm>>
      %dma_wait3A_67 = tpu.memref_squeeze %dma_wait3A_66 : memref<1x10112xf32, #tpu.memory_space<hbm>> -> memref<10112xf32, #tpu.memory_space<hbm>>
      %dma_wait3A_68 = arith.constant 0 : i32
      %dma_wait3A_69 = tpu.memref_slice %arg2[%add3A_25, %dma_wait3A_68] : memref<64x10112xf32, #tpu.memory_space<hbm>> -> memref<1x10112xf32, #tpu.memory_space<hbm>>
      %dma_wait3A_70 = tpu.memref_squeeze %dma_wait3A_69 : memref<1x10112xf32, #tpu.memory_space<hbm>> -> memref<10112xf32, #tpu.memory_space<hbm>>
      tpu.wait_dma2 semaphore(%run_scoped3A : memref<!tpu.dma_semaphore, #tpu.memory_space<semaphore_mem>>) src(%dma_wait3A_70 : memref<10112xf32, #tpu.memory_space<hbm>>) dst(%arg9 : memref<10112xf32, #tpu.memory_space<vmem>>)
      tpu.yield
    }) : () -> ()
    %mul3A_26 = arith.constant 4 : i32
    %mul3A_27 = arith.muli %arg1, %mul3A_26 : i32
    %add3A_28 = arith.constant 3 : i32
    %add3A_29 = arith.addi %mul3A_27, %add3A_28 : i32
    "tpu.region"() ({
      %run_scoped3A = tpu.sem_alloc : memref<!tpu.dma_semaphore, #tpu.memory_space<semaphore_mem>>
      %dma_start3A = arith.constant 0 : i32
      %dma_start3A_61 = tpu.memref_slice %arg2[%add3A_29, %dma_start3A] : memref<64x10112xf32, #tpu.memory_space<hbm>> -> memref<1x10112xf32, #tpu.memory_space<hbm>>
      %dma_start3A_62 = tpu.memref_squeeze %dma_start3A_61 : memref<1x10112xf32, #tpu.memory_space<hbm>> -> memref<10112xf32, #tpu.memory_space<hbm>>
      %dma_start3A_63 = arith.constant 0 : i32
      %dma_start3A_64 = tpu.memref_slice %arg2[%add3A_29, %dma_start3A_63] : memref<64x10112xf32, #tpu.memory_space<hbm>> -> memref<1x10112xf32, #tpu.memory_space<hbm>>
      %dma_start3A_65 = tpu.memref_squeeze %dma_start3A_64 : memref<1x10112xf32, #tpu.memory_space<hbm>> -> memref<10112xf32, #tpu.memory_space<hbm>>
      tpu.enqueue_dma source(%dma_start3A_65 : memref<10112xf32, #tpu.memory_space<hbm>>) target(%arg13 : memref<10112xf32, #tpu.memory_space<vmem>>) target_semaphore(%run_scoped3A : memref<!tpu.dma_semaphore, #tpu.memory_space<semaphore_mem>>)
      %dma_wait3A = arith.constant 0 : i32
      %dma_wait3A_66 = tpu.memref_slice %arg2[%add3A_29, %dma_wait3A] : memref<64x10112xf32, #tpu.memory_space<hbm>> -> memref<1x10112xf32, #tpu.memory_space<hbm>>
      %dma_wait3A_67 = tpu.memref_squeeze %dma_wait3A_66 : memref<1x10112xf32, #tpu.memory_space<hbm>> -> memref<10112xf32, #tpu.memory_space<hbm>>
      %dma_wait3A_68 = arith.constant 0 : i32
      %dma_wait3A_69 = tpu.memref_slice %arg2[%add3A_29, %dma_wait3A_68] : memref<64x10112xf32, #tpu.memory_space<hbm>> -> memref<1x10112xf32, #tpu.memory_space<hbm>>
      %dma_wait3A_70 = tpu.memref_squeeze %dma_wait3A_69 : memref<1x10112xf32, #tpu.memory_space<hbm>> -> memref<10112xf32, #tpu.memory_space<hbm>>
      tpu.wait_dma2 semaphore(%run_scoped3A : memref<!tpu.dma_semaphore, #tpu.memory_space<semaphore_mem>>) src(%dma_wait3A_70 : memref<10112xf32, #tpu.memory_space<hbm>>) dst(%arg13 : memref<10112xf32, #tpu.memory_space<vmem>>)
      tpu.yield
    }) : () -> ()
    %mul3A_30 = arith.constant 81920 : i32
    %mul3A_31 = arith.muli %arg0, %mul3A_30 : i32
    %scan3A = arith.constant 0 : i32
    %scan3A_32 = arith.constant 0 : i32
    %scan3A_33 = arith.constant 20 : i32
    %scan3A_34 = arith.addi %scan3A_32, %scan3A_33 : i32
    %scan3A_35 = arith.constant 1 : i32
    scf.for %scan3A_61 = %scan3A_32 to %scan3A_34 step %scan3A_35  : i32 {
      %mul3A_62 = arith.constant 4096 : i32
      %mul3A_63 = arith.muli %scan3A_61, %mul3A_62 : i32
      %add3A_64 = arith.addi %mul3A_31, %mul3A_63 : i32
      "tpu.region"() ({
        %run_scoped3A = tpu.sem_alloc : memref<!tpu.dma_semaphore, #tpu.memory_space<semaphore_mem>>
        %dma_start3A = tpu.memref_slice %arg3[%add3A_64] : memref<163840xi32, #tpu.memory_space<hbm>> -> memref<4096xi32, #tpu.memory_space<hbm>>
        %dma_start3A_74 = tpu.memref_slice %arg3[%add3A_64] : memref<163840xi32, #tpu.memory_space<hbm>> -> memref<4096xi32, #tpu.memory_space<hbm>>
        tpu.enqueue_dma source(%dma_start3A_74 : memref<4096xi32, #tpu.memory_space<hbm>>) target(%arg14 : memref<4096xi32, #tpu.memory_space<vmem>>) target_semaphore(%run_scoped3A : memref<!tpu.dma_semaphore, #tpu.memory_space<semaphore_mem>>)
        %dma_wait3A = tpu.memref_slice %arg3[%add3A_64] : memref<163840xi32, #tpu.memory_space<hbm>> -> memref<4096xi32, #tpu.memory_space<hbm>>
        %dma_wait3A_75 = tpu.memref_slice %arg3[%add3A_64] : memref<163840xi32, #tpu.memory_space<hbm>> -> memref<4096xi32, #tpu.memory_space<hbm>>
        tpu.wait_dma2 semaphore(%run_scoped3A : memref<!tpu.dma_semaphore, #tpu.memory_space<semaphore_mem>>) src(%dma_wait3A_75 : memref<4096xi32, #tpu.memory_space<hbm>>) dst(%arg14 : memref<4096xi32, #tpu.memory_space<vmem>>)
        tpu.yield
      }) : () -> ()
      %mul3A_65 = arith.constant 4096 : i32
      %mul3A_66 = arith.muli %scan3A_61, %mul3A_65 : i32
      %add3A_67 = arith.addi %mul3A_31, %mul3A_66 : i32
      "tpu.region"() ({
        %run_scoped3A = tpu.sem_alloc : memref<!tpu.dma_semaphore, #tpu.memory_space<semaphore_mem>>
        %dma_start3A = tpu.memref_slice %arg4[%add3A_67] : memref<163840xi32, #tpu.memory_space<hbm>> -> memref<4096xi32, #tpu.memory_space<hbm>>
        %dma_start3A_74 = tpu.memref_slice %arg4[%add3A_67] : memref<163840xi32, #tpu.memory_space<hbm>> -> memref<4096xi32, #tpu.memory_space<hbm>>
        tpu.enqueue_dma source(%dma_start3A_74 : memref<4096xi32, #tpu.memory_space<hbm>>) target(%arg15 : memref<4096xi32, #tpu.memory_space<vmem>>) target_semaphore(%run_scoped3A : memref<!tpu.dma_semaphore, #tpu.memory_space<semaphore_mem>>)
        %dma_wait3A = tpu.memref_slice %arg4[%add3A_67] : memref<163840xi32, #tpu.memory_space<hbm>> -> memref<4096xi32, #tpu.memory_space<hbm>>
        %dma_wait3A_75 = tpu.memref_slice %arg4[%add3A_67] : memref<163840xi32, #tpu.memory_space<hbm>> -> memref<4096xi32, #tpu.memory_space<hbm>>
        tpu.wait_dma2 semaphore(%run_scoped3A : memref<!tpu.dma_semaphore, #tpu.memory_space<semaphore_mem>>) src(%dma_wait3A_75 : memref<4096xi32, #tpu.memory_space<hbm>>) dst(%arg15 : memref<4096xi32, #tpu.memory_space<vmem>>)
        tpu.yield
      }) : () -> ()
      %scan3A_68 = arith.constant 0 : i32
      %scan3A_69 = arith.constant 0 : i32
      %scan3A_70 = arith.constant 256 : i32
      %scan3A_71 = arith.addi %scan3A_69, %scan3A_70 : i32
      %scan3A_72 = arith.constant 1 : i32
      scf.for %scan3A_74 = %scan3A_69 to %scan3A_71 step %scan3A_72  : i32 {
        %mul3A_75 = arith.constant 16 : i32
        %mul3A_76 = arith.muli %scan3A_74, %mul3A_75 : i32
        %get3A = arith.index_cast %mul3A_76 : i32 to index
        %get3A_77 = tpu.vector_load %arg14[%get3A] {strides = array<i32>} : memref<4096xi32, #tpu.memory_space<vmem>>, vector<16xi32>,
        %mul3A_78 = arith.constant 16 : i32
        %mul3A_79 = arith.muli %scan3A_74, %mul3A_78 : i32
        %get3A_80 = arith.index_cast %mul3A_79 : i32 to index
        %get3A_81 = tpu.vector_load %arg15[%get3A_80] {strides = array<i32>} : memref<4096xi32, #tpu.memory_space<vmem>>, vector<16xi32>,
        %gather3A = tpu.vector_load_idx %arg6[%get3A_77] : memref<10112xf32, #tpu.memory_space<vmem>>[vector<16xi32>], vector<16xf32>,
        %gather3A_82 = tpu.vector_load_idx %arg10[%get3A_81] : memref<10112xf32, #tpu.memory_space<vmem>>[vector<16xi32>], vector<16xf32>,
        %max3A = arith.maximumf %gather3A_82, %gather3A : vector<16xf32>
        tpu.vector_store_idx %arg10[%get3A_81], %max3A : memref<10112xf32, #tpu.memory_space<vmem>>[vector<16xi32>], vector<16xf32>,
        %gather3A_83 = tpu.vector_load_idx %arg7[%get3A_77] : memref<10112xf32, #tpu.memory_space<vmem>>[vector<16xi32>], vector<16xf32>,
        %gather3A_84 = tpu.vector_load_idx %arg11[%get3A_81] : memref<10112xf32, #tpu.memory_space<vmem>>[vector<16xi32>], vector<16xf32>,
        %max3A_85 = arith.maximumf %gather3A_84, %gather3A_83 : vector<16xf32>
        tpu.vector_store_idx %arg11[%get3A_81], %max3A_85 : memref<10112xf32, #tpu.memory_space<vmem>>[vector<16xi32>], vector<16xf32>,
        %gather3A_86 = tpu.vector_load_idx %arg8[%get3A_77] : memref<10112xf32, #tpu.memory_space<vmem>>[vector<16xi32>], vector<16xf32>,
        %gather3A_87 = tpu.vector_load_idx %arg12[%get3A_81] : memref<10112xf32, #tpu.memory_space<vmem>>[vector<16xi32>], vector<16xf32>,
        %max3A_88 = arith.maximumf %gather3A_87, %gather3A_86 : vector<16xf32>
        tpu.vector_store_idx %arg12[%get3A_81], %max3A_88 : memref<10112xf32, #tpu.memory_space<vmem>>[vector<16xi32>], vector<16xf32>,
        %gather3A_89 = tpu.vector_load_idx %arg9[%get3A_77] : memref<10112xf32, #tpu.memory_space<vmem>>[vector<16xi32>], vector<16xf32>,
        %gather3A_90 = tpu.vector_load_idx %arg13[%get3A_81] : memref<10112xf32, #tpu.memory_space<vmem>>[vector<16xi32>], vector<16xf32>,
        %max3A_91 = arith.maximumf %gather3A_90, %gather3A_89 : vector<16xf32>
        tpu.vector_store_idx %arg13[%get3A_81], %max3A_91 : memref<10112xf32, #tpu.memory_space<vmem>>[vector<16xi32>], vector<16xf32>,
        %gather3A_92 = tpu.vector_load_idx %arg10[%get3A_81] : memref<10112xf32, #tpu.memory_space<vmem>>[vector<16xi32>], vector<16xf32>,
        %lt3A = arith.cmpf olt, %gather3A_92, %max3A : vector<16xf32>
        %gather3A_93 = tpu.vector_load_idx %arg11[%get3A_81] : memref<10112xf32, #tpu.memory_space<vmem>>[vector<16xi32>], vector<16xf32>,
        %lt3A_94 = arith.cmpf olt, %gather3A_93, %max3A_85 : vector<16xf32>
        %or3A = arith.ori %lt3A, %lt3A_94 : vector<16xi1>
        %gather3A_95 = tpu.vector_load_idx %arg12[%get3A_81] : memref<10112xf32, #tpu.memory_space<vmem>>[vector<16xi32>], vector<16xf32>,
        %lt3A_96 = arith.cmpf olt, %gather3A_95, %max3A_88 : vector<16xf32>
        %or3A_97 = arith.ori %or3A, %lt3A_96 : vector<16xi1>
        %gather3A_98 = tpu.vector_load_idx %arg13[%get3A_81] : memref<10112xf32, #tpu.memory_space<vmem>>[vector<16xi32>], vector<16xf32>,
        %lt3A_99 = arith.cmpf olt, %gather3A_98, %max3A_91 : vector<16xf32>
        %or3A_100 = arith.ori %or3A_97, %lt3A_99 : vector<16xi1>
        %all_reduce_population_count3A = tpu.all_reduce %or3A_100 {dim = 0 : i64, kind = #tpu.reduction_kind<sum>} : vector<16xi1> -> vector<16xi32>
        %slice3A = vector.extract_strided_slice %all_reduce_population_count3A {offsets = [0], sizes = [1], strides = [1]} : vector<16xi32> to vector<1xi32>
        %squeeze3A = vector.extract %slice3A[0] : i32 from vector<1xi32>
        %gt3A = arith.constant 0 : i32
        %gt3A_101 = arith.cmpi sgt, %squeeze3A, %gt3A : i32
        %convert_element_type3A = arith.extui %gt3A_101 : i1 to i32
        %cond3A = arith.constant 0 : i32
        %cond3A_102 = arith.cmpi ne, %convert_element_type3A, %cond3A : i32
        scf.if %cond3A_102 {
          %while3A = scf.while (%while3A_106 = %lt3A) : (vector<16xi1>) -> vector<16xi1> {
            %convert_element_type3A_107 = arith.extui %while3A_106 : vector<16xi1> to vector<16xi32>
            %reduce_max3A = arith.constant true
            %reduce_max3A_108 = vector.broadcast %reduce_max3A : i1 to vector<16xi1>
            %reduce_max3A_109 = arith.constant -2147483648 : i32
            %reduce_max3A_110 = vector.broadcast %reduce_max3A_109 : i32 to vector<16xi32>
            %reduce_max3A_111 = arith.xori %convert_element_type3A_107, %reduce_max3A_110 : vector<16xi32>
            %reduce_max3A_112 = tpu.scan <max>, %reduce_max3A_111 masked %reduce_max3A_108 : vector<16xi32>, vector<16xi1> -> vector<16xi32>
            %reduce_max3A_113 = arith.xori %reduce_max3A_112, %reduce_max3A_110 : vector<16xi32>
            %reduce_max3A_114 = vector.extract %reduce_max3A_113[15] : i32 from vector<16xi32>
            %gt3A_115 = arith.constant 0 : i32
            %gt3A_116 = arith.cmpi sgt, %reduce_max3A_114, %gt3A_115 : i32
            scf.condition(%gt3A_116) %while3A_106 : vector<16xi1>
          } do {
          ^bb0(%while3A_106: vector<16xi1>):
            tpu.vector_store_idx %arg10[%get3A_81], %max3A masked %while3A_106 : memref<10112xf32, #tpu.memory_space<vmem>>[vector<16xi32>], vector<16xf32>, vector<16xi1>
            %gather3A_107 = tpu.vector_load_idx %arg10[%get3A_81] : memref<10112xf32, #tpu.memory_space<vmem>>[vector<16xi32>], vector<16xf32>,
            %lt3A_108 = arith.cmpf olt, %gather3A_107, %max3A : vector<16xf32>
            %and3A = arith.andi %while3A_106, %lt3A_108 : vector<16xi1>
            scf.yield %and3A : vector<16xi1>
          }
          %while3A_103 = scf.while (%while3A_106 = %lt3A_94) : (vector<16xi1>) -> vector<16xi1> {
            %convert_element_type3A_107 = arith.extui %while3A_106 : vector<16xi1> to vector<16xi32>
            %reduce_max3A = arith.constant true
            %reduce_max3A_108 = vector.broadcast %reduce_max3A : i1 to vector<16xi1>
            %reduce_max3A_109 = arith.constant -2147483648 : i32
            %reduce_max3A_110 = vector.broadcast %reduce_max3A_109 : i32 to vector<16xi32>
            %reduce_max3A_111 = arith.xori %convert_element_type3A_107, %reduce_max3A_110 : vector<16xi32>
            %reduce_max3A_112 = tpu.scan <max>, %reduce_max3A_111 masked %reduce_max3A_108 : vector<16xi32>, vector<16xi1> -> vector<16xi32>
            %reduce_max3A_113 = arith.xori %reduce_max3A_112, %reduce_max3A_110 : vector<16xi32>
            %reduce_max3A_114 = vector.extract %reduce_max3A_113[15] : i32 from vector<16xi32>
            %gt3A_115 = arith.constant 0 : i32
            %gt3A_116 = arith.cmpi sgt, %reduce_max3A_114, %gt3A_115 : i32
            scf.condition(%gt3A_116) %while3A_106 : vector<16xi1>
          } do {
          ^bb0(%while3A_106: vector<16xi1>):
            tpu.vector_store_idx %arg11[%get3A_81], %max3A_85 masked %while3A_106 : memref<10112xf32, #tpu.memory_space<vmem>>[vector<16xi32>], vector<16xf32>, vector<16xi1>
            %gather3A_107 = tpu.vector_load_idx %arg11[%get3A_81] : memref<10112xf32, #tpu.memory_space<vmem>>[vector<16xi32>], vector<16xf32>,
            %lt3A_108 = arith.cmpf olt, %gather3A_107, %max3A_85 : vector<16xf32>
            %and3A = arith.andi %while3A_106, %lt3A_108 : vector<16xi1>
            scf.yield %and3A : vector<16xi1>
          }
          %while3A_104 = scf.while (%while3A_106 = %lt3A_96) : (vector<16xi1>) -> vector<16xi1> {
            %convert_element_type3A_107 = arith.extui %while3A_106 : vector<16xi1> to vector<16xi32>
            %reduce_max3A = arith.constant true
            %reduce_max3A_108 = vector.broadcast %reduce_max3A : i1 to vector<16xi1>
            %reduce_max3A_109 = arith.constant -2147483648 : i32
            %reduce_max3A_110 = vector.broadcast %reduce_max3A_109 : i32 to vector<16xi32>
            %reduce_max3A_111 = arith.xori %convert_element_type3A_107, %reduce_max3A_110 : vector<16xi32>
            %reduce_max3A_112 = tpu.scan <max>, %reduce_max3A_111 masked %reduce_max3A_108 : vector<16xi32>, vector<16xi1> -> vector<16xi32>
            %reduce_max3A_113 = arith.xori %reduce_max3A_112, %reduce_max3A_110 : vector<16xi32>
            %reduce_max3A_114 = vector.extract %reduce_max3A_113[15] : i32 from vector<16xi32>
            %gt3A_115 = arith.constant 0 : i32
            %gt3A_116 = arith.cmpi sgt, %reduce_max3A_114, %gt3A_115 : i32
            scf.condition(%gt3A_116) %while3A_106 : vector<16xi1>
          } do {
          ^bb0(%while3A_106: vector<16xi1>):
            tpu.vector_store_idx %arg12[%get3A_81], %max3A_88 masked %while3A_106 : memref<10112xf32, #tpu.memory_space<vmem>>[vector<16xi32>], vector<16xf32>, vector<16xi1>
            %gather3A_107 = tpu.vector_load_idx %arg12[%get3A_81] : memref<10112xf32, #tpu.memory_space<vmem>>[vector<16xi32>], vector<16xf32>,
            %lt3A_108 = arith.cmpf olt, %gather3A_107, %max3A_88 : vector<16xf32>
            %and3A = arith.andi %while3A_106, %lt3A_108 : vector<16xi1>
            scf.yield %and3A : vector<16xi1>
          }
          %while3A_105 = scf.while (%while3A_106 = %lt3A_99) : (vector<16xi1>) -> vector<16xi1> {
            %convert_element_type3A_107 = arith.extui %while3A_106 : vector<16xi1> to vector<16xi32>
            %reduce_max3A = arith.constant true
            %reduce_max3A_108 = vector.broadcast %reduce_max3A : i1 to vector<16xi1>
            %reduce_max3A_109 = arith.constant -2147483648 : i32
            %reduce_max3A_110 = vector.broadcast %reduce_max3A_109 : i32 to vector<16xi32>
            %reduce_max3A_111 = arith.xori %convert_element_type3A_107, %reduce_max3A_110 : vector<16xi32>
            %reduce_max3A_112 = tpu.scan <max>, %reduce_max3A_111 masked %reduce_max3A_108 : vector<16xi32>, vector<16xi1> -> vector<16xi32>
            %reduce_max3A_113 = arith.xori %reduce_max3A_112, %reduce_max3A_110 : vector<16xi32>
            %reduce_max3A_114 = vector.extract %reduce_max3A_113[15] : i32 from vector<16xi32>
            %gt3A_115 = arith.constant 0 : i32
            %gt3A_116 = arith.cmpi sgt, %reduce_max3A_114, %gt3A_115 : i32
            scf.condition(%gt3A_116) %while3A_106 : vector<16xi1>
          } do {
          ^bb0(%while3A_106: vector<16xi1>):
            tpu.vector_store_idx %arg13[%get3A_81], %max3A_91 masked %while3A_106 : memref<10112xf32, #tpu.memory_space<vmem>>[vector<16xi32>], vector<16xf32>, vector<16xi1>
            %gather3A_107 = tpu.vector_load_idx %arg13[%get3A_81] : memref<10112xf32, #tpu.memory_space<vmem>>[vector<16xi32>], vector<16xf32>,
            %lt3A_108 = arith.cmpf olt, %gather3A_107, %max3A_91 : vector<16xf32>
            %and3A = arith.andi %while3A_106, %lt3A_108 : vector<16xi1>
            scf.yield %and3A : vector<16xi1>
          }
        } else {
        }
      }
      %scan3A_73 = arith.constant 256 : i32
    }
    %scan3A_36 = arith.constant 20 : i32
    %mul3A_37 = arith.constant 4 : i32
    %mul3A_38 = arith.muli %arg1, %mul3A_37 : i32
    %add3A_39 = arith.constant 0 : i32
    %add3A_40 = arith.addi %mul3A_38, %add3A_39 : i32
    %mul3A_41 = arith.constant 10112 : i32
    %mul3A_42 = arith.muli %add3A_40, %mul3A_41 : i32
    "tpu.region"() ({
      %run_scoped3A = tpu.sem_alloc : memref<!tpu.dma_semaphore, #tpu.memory_space<semaphore_mem>>
      %dma_start3A = tpu.memref_slice %arg5[%arg0, %mul3A_42] : memref<2x647168xf32, #tpu.memory_space<hbm>> -> memref<1x10112xf32, #tpu.memory_space<hbm>>
      %dma_start3A_61 = tpu.memref_squeeze %dma_start3A : memref<1x10112xf32, #tpu.memory_space<hbm>> -> memref<10112xf32, #tpu.memory_space<hbm>>
      %dma_start3A_62 = tpu.memref_slice %arg5[%arg0, %mul3A_42] : memref<2x647168xf32, #tpu.memory_space<hbm>> -> memref<1x10112xf32, #tpu.memory_space<hbm>>
      %dma_start3A_63 = tpu.memref_squeeze %dma_start3A_62 : memref<1x10112xf32, #tpu.memory_space<hbm>> -> memref<10112xf32, #tpu.memory_space<hbm>>
      tpu.enqueue_dma source(%arg10 : memref<10112xf32, #tpu.memory_space<vmem>>) target(%dma_start3A_63 : memref<10112xf32, #tpu.memory_space<hbm>>) target_semaphore(%run_scoped3A : memref<!tpu.dma_semaphore, #tpu.memory_space<semaphore_mem>>)
      %dma_wait3A = tpu.memref_slice %arg5[%arg0, %mul3A_42] : memref<2x647168xf32, #tpu.memory_space<hbm>> -> memref<1x10112xf32, #tpu.memory_space<hbm>>
      %dma_wait3A_64 = tpu.memref_squeeze %dma_wait3A : memref<1x10112xf32, #tpu.memory_space<hbm>> -> memref<10112xf32, #tpu.memory_space<hbm>>
      %dma_wait3A_65 = tpu.memref_slice %arg5[%arg0, %mul3A_42] : memref<2x647168xf32, #tpu.memory_space<hbm>> -> memref<1x10112xf32, #tpu.memory_space<hbm>>
      %dma_wait3A_66 = tpu.memref_squeeze %dma_wait3A_65 : memref<1x10112xf32, #tpu.memory_space<hbm>> -> memref<10112xf32, #tpu.memory_space<hbm>>
      tpu.wait_dma2 semaphore(%run_scoped3A : memref<!tpu.dma_semaphore, #tpu.memory_space<semaphore_mem>>) src(%arg10 : memref<10112xf32, #tpu.memory_space<vmem>>) dst(%dma_wait3A_66 : memref<10112xf32, #tpu.memory_space<hbm>>)
      tpu.yield
    }) : () -> ()
    %mul3A_43 = arith.constant 4 : i32
    %mul3A_44 = arith.muli %arg1, %mul3A_43 : i32
    %add3A_45 = arith.constant 1 : i32
    %add3A_46 = arith.addi %mul3A_44, %add3A_45 : i32
    %mul3A_47 = arith.constant 10112 : i32
    %mul3A_48 = arith.muli %add3A_46, %mul3A_47 : i32
    "tpu.region"() ({
      %run_scoped3A = tpu.sem_alloc : memref<!tpu.dma_semaphore, #tpu.memory_space<semaphore_mem>>
      %dma_start3A = tpu.memref_slice %arg5[%arg0, %mul3A_48] : memref<2x647168xf32, #tpu.memory_space<hbm>> -> memref<1x10112xf32, #tpu.memory_space<hbm>>
      %dma_start3A_61 = tpu.memref_squeeze %dma_start3A : memref<1x10112xf32, #tpu.memory_space<hbm>> -> memref<10112xf32, #tpu.memory_space<hbm>>
      %dma_start3A_62 = tpu.memref_slice %arg5[%arg0, %mul3A_48] : memref<2x647168xf32, #tpu.memory_space<hbm>> -> memref<1x10112xf32, #tpu.memory_space<hbm>>
      %dma_start3A_63 = tpu.memref_squeeze %dma_start3A_62 : memref<1x10112xf32, #tpu.memory_space<hbm>> -> memref<10112xf32, #tpu.memory_space<hbm>>
      tpu.enqueue_dma source(%arg11 : memref<10112xf32, #tpu.memory_space<vmem>>) target(%dma_start3A_63 : memref<10112xf32, #tpu.memory_space<hbm>>) target_semaphore(%run_scoped3A : memref<!tpu.dma_semaphore, #tpu.memory_space<semaphore_mem>>)
      %dma_wait3A = tpu.memref_slice %arg5[%arg0, %mul3A_48] : memref<2x647168xf32, #tpu.memory_space<hbm>> -> memref<1x10112xf32, #tpu.memory_space<hbm>>
      %dma_wait3A_64 = tpu.memref_squeeze %dma_wait3A : memref<1x10112xf32, #tpu.memory_space<hbm>> -> memref<10112xf32, #tpu.memory_space<hbm>>
      %dma_wait3A_65 = tpu.memref_slice %arg5[%arg0, %mul3A_48] : memref<2x647168xf32, #tpu.memory_space<hbm>> -> memref<1x10112xf32, #tpu.memory_space<hbm>>
      %dma_wait3A_66 = tpu.memref_squeeze %dma_wait3A_65 : memref<1x10112xf32, #tpu.memory_space<hbm>> -> memref<10112xf32, #tpu.memory_space<hbm>>
      tpu.wait_dma2 semaphore(%run_scoped3A : memref<!tpu.dma_semaphore, #tpu.memory_space<semaphore_mem>>) src(%arg11 : memref<10112xf32, #tpu.memory_space<vmem>>) dst(%dma_wait3A_66 : memref<10112xf32, #tpu.memory_space<hbm>>)
      tpu.yield
    }) : () -> ()
    %mul3A_49 = arith.constant 4 : i32
    %mul3A_50 = arith.muli %arg1, %mul3A_49 : i32
    %add3A_51 = arith.constant 2 : i32
    %add3A_52 = arith.addi %mul3A_50, %add3A_51 : i32
    %mul3A_53 = arith.constant 10112 : i32
    %mul3A_54 = arith.muli %add3A_52, %mul3A_53 : i32
    "tpu.region"() ({
      %run_scoped3A = tpu.sem_alloc : memref<!tpu.dma_semaphore, #tpu.memory_space<semaphore_mem>>
      %dma_start3A = tpu.memref_slice %arg5[%arg0, %mul3A_54] : memref<2x647168xf32, #tpu.memory_space<hbm>> -> memref<1x10112xf32, #tpu.memory_space<hbm>>
      %dma_start3A_61 = tpu.memref_squeeze %dma_start3A : memref<1x10112xf32, #tpu.memory_space<hbm>> -> memref<10112xf32, #tpu.memory_space<hbm>>
      %dma_start3A_62 = tpu.memref_slice %arg5[%arg0, %mul3A_54] : memref<2x647168xf32, #tpu.memory_space<hbm>> -> memref<1x10112xf32, #tpu.memory_space<hbm>>
      %dma_start3A_63 = tpu.memref_squeeze %dma_start3A_62 : memref<1x10112xf32, #tpu.memory_space<hbm>> -> memref<10112xf32, #tpu.memory_space<hbm>>
      tpu.enqueue_dma source(%arg12 : memref<10112xf32, #tpu.memory_space<vmem>>) target(%dma_start3A_63 : memref<10112xf32, #tpu.memory_space<hbm>>) target_semaphore(%run_scoped3A : memref<!tpu.dma_semaphore, #tpu.memory_space<semaphore_mem>>)
      %dma_wait3A = tpu.memref_slice %arg5[%arg0, %mul3A_54] : memref<2x647168xf32, #tpu.memory_space<hbm>> -> memref<1x10112xf32, #tpu.memory_space<hbm>>
      %dma_wait3A_64 = tpu.memref_squeeze %dma_wait3A : memref<1x10112xf32, #tpu.memory_space<hbm>> -> memref<10112xf32, #tpu.memory_space<hbm>>
      %dma_wait3A_65 = tpu.memref_slice %arg5[%arg0, %mul3A_54] : memref<2x647168xf32, #tpu.memory_space<hbm>> -> memref<1x10112xf32, #tpu.memory_space<hbm>>
      %dma_wait3A_66 = tpu.memref_squeeze %dma_wait3A_65 : memref<1x10112xf32, #tpu.memory_space<hbm>> -> memref<10112xf32, #tpu.memory_space<hbm>>
      tpu.wait_dma2 semaphore(%run_scoped3A : memref<!tpu.dma_semaphore, #tpu.memory_space<semaphore_mem>>) src(%arg12 : memref<10112xf32, #tpu.memory_space<vmem>>) dst(%dma_wait3A_66 : memref<10112xf32, #tpu.memory_space<hbm>>)
      tpu.yield
    }) : () -> ()
    %mul3A_55 = arith.constant 4 : i32
    %mul3A_56 = arith.muli %arg1, %mul3A_55 : i32
    %add3A_57 = arith.constant 3 : i32
    %add3A_58 = arith.addi %mul3A_56, %add3A_57 : i32
    %mul3A_59 = arith.constant 10112 : i32
    %mul3A_60 = arith.muli %add3A_58, %mul3A_59 : i32
    "tpu.region"() ({
      %run_scoped3A = tpu.sem_alloc : memref<!tpu.dma_semaphore, #tpu.memory_space<semaphore_mem>>
      %dma_start3A = tpu.memref_slice %arg5[%arg0, %mul3A_60] : memref<2x647168xf32, #tpu.memory_space<hbm>> -> memref<1x10112xf32, #tpu.memory_space<hbm>>
      %dma_start3A_61 = tpu.memref_squeeze %dma_start3A : memref<1x10112xf32, #tpu.memory_space<hbm>> -> memref<10112xf32, #tpu.memory_space<hbm>>
      %dma_start3A_62 = tpu.memref_slice %arg5[%arg0, %mul3A_60] : memref<2x647168xf32, #tpu.memory_space<hbm>> -> memref<1x10112xf32, #tpu.memory_space<hbm>>
      %dma_start3A_63 = tpu.memref_squeeze %dma_start3A_62 : memref<1x10112xf32, #tpu.memory_space<hbm>> -> memref<10112xf32, #tpu.memory_space<hbm>>
      tpu.enqueue_dma source(%arg13 : memref<10112xf32, #tpu.memory_space<vmem>>) target(%dma_start3A_63 : memref<10112xf32, #tpu.memory_space<hbm>>) target_semaphore(%run_scoped3A : memref<!tpu.dma_semaphore, #tpu.memory_space<semaphore_mem>>)
      %dma_wait3A = tpu.memref_slice %arg5[%arg0, %mul3A_60] : memref<2x647168xf32, #tpu.memory_space<hbm>> -> memref<1x10112xf32, #tpu.memory_space<hbm>>
      %dma_wait3A_64 = tpu.memref_squeeze %dma_wait3A : memref<1x10112xf32, #tpu.memory_space<hbm>> -> memref<10112xf32, #tpu.memory_space<hbm>>
      %dma_wait3A_65 = tpu.memref_slice %arg5[%arg0, %mul3A_60] : memref<2x647168xf32, #tpu.memory_space<hbm>> -> memref<1x10112xf32, #tpu.memory_space<hbm>>
      %dma_wait3A_66 = tpu.memref_squeeze %dma_wait3A_65 : memref<1x10112xf32, #tpu.memory_space<hbm>> -> memref<10112xf32, #tpu.memory_space<hbm>>
      tpu.wait_dma2 semaphore(%run_scoped3A : memref<!tpu.dma_semaphore, #tpu.memory_space<semaphore_mem>>) src(%arg13 : memref<10112xf32, #tpu.memory_space<vmem>>) dst(%dma_wait3A_66 : memref<10112xf32, #tpu.memory_space<hbm>>)
      tpu.yield
    }) : () -> ()
    return
  }
}

module attributes {stable_mosaic.version = 14 : i64} {
  func.func @_deg_body(%arg0: i32, %arg1: memref<32x10112xi32, #tpu.memory_space<vmem>>, %arg2: memref<1x10112xi32, #tpu.memory_space<vmem>>) attributes {dimension_semantics = [#tpu.dimension_semantics<arbitrary>], iteration_bounds = array<i64: 1>, scalar_prefetch = 0 : i64, scratch_operands = 0 : i64, tpu.core_type = #tpu.core_type<tc>, window_params = [{pipeline_mode = #tpu.pipeline_mode<synchronous>, transform_indices = @transform_0, window_bounds = array<i64: 32, 10112>}, {pipeline_mode = #tpu.pipeline_mode<synchronous>, transform_indices = @transform_1, window_bounds = array<i64: 1, 10112>}]} {
    %get3A = arith.constant 0 : index
    %get3A_0 = arith.constant 0 : index
    %get3A_1 = vector.load %arg1[%get3A, %get3A_0] : memref<32x10112xi32, #tpu.memory_space<vmem>>, vector<32x10112xi32>
    %reduce_sum3A = arith.constant dense<0> : vector<10112xi32>
    %reduce_sum3A_2 = vector.multi_reduction <add>, %get3A_1, %reduce_sum3A [0] : vector<32x10112xi32> to vector<10112xi32>
    %broadcast_in_dim3A = vector.shape_cast %reduce_sum3A_2 : vector<10112xi32> to vector<1x10112xi32>
    %min3A = arith.constant 10 : i32
    %min3A_3 = vector.broadcast %min3A : i32 to vector<1x10112xi32>
    %min3A_4 = arith.minsi %broadcast_in_dim3A, %min3A_3 : vector<1x10112xi32>
    %swap3A = arith.constant 0 : index
    %swap3A_5 = arith.constant 0 : index
    %swap3A_6 = vector.load %arg2[%swap3A, %swap3A_5] : memref<1x10112xi32, #tpu.memory_space<vmem>>, vector<1x10112xi32>
    tpu.vector_store %arg2[%swap3A, %swap3A_5], %min3A_4 {strides = array<i32>} : memref<1x10112xi32, #tpu.memory_space<vmem>>, vector<1x10112xi32>,
    return
  }
  func.func @transform_0(%arg0: i32) -> (i32, i32) {
    %c0_i32 = arith.constant 0 : i32
    %c0_i32_0 = arith.constant 0 : i32
    %c0_i32_1 = arith.constant 0 : i32
    return %c0_i32, %c0_i32_0 : i32, i32
  }
  func.func @transform_1(%arg0: i32) -> (i32, i32) {
    %c0_i32 = arith.constant 0 : i32
    %c0_i32_0 = arith.constant 0 : i32
    %c0_i32_1 = arith.constant 0 : i32
    return %c0_i32, %c0_i32_0 : i32, i32
  }
}

module attributes {stable_mosaic.version = 14 : i64} {
  func.func @_mfconv_body(%arg0: i32, %arg1: memref<128x256xf32, #tpu.memory_space<vmem>>, %arg2: memref<2x128x128xf32, #tpu.memory_space<vmem>>, %arg3: memref<128x1xi32, #tpu.memory_space<vmem>>, %arg4: memref<704x256xf32, #tpu.memory_space<vmem>>, %arg5: memref<704x256xf32, #tpu.memory_space<vmem>>, %arg6: memref<128x64xf32, #tpu.memory_space<vmem>>) attributes {dimension_semantics = [#tpu.dimension_semantics<arbitrary>], iteration_bounds = array<i64: 79>, scalar_prefetch = 0 : i64, scratch_operands = 0 : i64, tpu.core_type = #tpu.core_type<tc>, window_params = [{transform_indices = @transform_0, window_bounds = array<i64: 128, 256>}, {transform_indices = @transform_1, window_bounds = array<i64: 2, 128, 128>}, {transform_indices = @transform_2, window_bounds = array<i64: 128, 1>}, {pipeline_mode = #tpu.pipeline_mode<synchronous>, transform_indices = @transform_3, window_bounds = array<i64: 704, 256>}, {pipeline_mode = #tpu.pipeline_mode<synchronous>, transform_indices = @transform_4, window_bounds = array<i64: 704, 256>}, {transform_indices = @transform_5, window_bounds = array<i64: 128, 64>}]} {
    %get3A = arith.constant 0 : index
    %get3A_0 = arith.constant 0 : index
    %get3A_1 = vector.load %arg1[%get3A, %get3A_0] : memref<128x256xf32, #tpu.memory_space<vmem>>, vector<128x256xf32>
    %get3A_2 = arith.constant 0 : index
    %get3A_3 = arith.constant 0 : index
    %get3A_4 = arith.constant 0 : index
    %get3A_5 = vector.load %arg2[%get3A_2, %get3A_3, %get3A_4] : memref<2x128x128xf32, #tpu.memory_space<vmem>>, vector<1x128x128xf32>
    %get3A_6 = vector.shape_cast %get3A_5 : vector<1x128x128xf32> to vector<128x128xf32>
    %get3A_7 = arith.constant 1 : index
    %get3A_8 = arith.constant 0 : index
    %get3A_9 = arith.constant 0 : index
    %get3A_10 = vector.load %arg2[%get3A_7, %get3A_8, %get3A_9] : memref<2x128x128xf32, #tpu.memory_space<vmem>>, vector<1x128x128xf32>
    %get3A_11 = vector.shape_cast %get3A_10 : vector<1x128x128xf32> to vector<128x128xf32>
    %concatenate3A = tpu.concatenate %get3A_6, %get3A_11 in 1 : vector<128x128xf32>, vector<128x128xf32> -> vector<128x256xf32>
    %get3A_12 = arith.constant 0 : index
    %get3A_13 = arith.constant 0 : index
    %get3A_14 = vector.load %arg3[%get3A_12, %get3A_13] : memref<128x1xi32, #tpu.memory_space<vmem>>, vector<128x1xi32>
    %get3A_15 = arith.constant 0 : index
    %get3A_16 = arith.constant 0 : index
    %get3A_17 = vector.load %arg4[%get3A_15, %get3A_16] : memref<704x256xf32, #tpu.memory_space<vmem>>, vector<704x256xf32>
    %dot_general3A = arith.constant dense<0.000000e+00> : vector<128x704xf32>
    %dot_general3A_18 = tpu.matmul %concatenate3A, %get3A_17, %dot_general3A {dimension_numbers = #tpu.dot_dimension_numbers<[1], [1], [0], [0], [0, 0, 1, 0], [], []>, transpose_lhs_hint = false} : vector<128x256xf32>, vector<704x256xf32>, vector<128x704xf32> -> vector<128x704xf32>
    %get3A_19 = arith.constant 0 : index
    %get3A_20 = arith.constant 0 : index
    %get3A_21 = vector.load %arg5[%get3A_19, %get3A_20] : memref<704x256xf32, #tpu.memory_space<vmem>>, vector<704x256xf32>
    %dot_general3A_22 = arith.constant dense<0.000000e+00> : vector<128x704xf32>
    %dot_general3A_23 = tpu.matmul %get3A_1, %get3A_21, %dot_general3A_22 {dimension_numbers = #tpu.dot_dimension_numbers<[1], [1], [0], [0], [0, 0, 1, 0], [], []>, transpose_lhs_hint = false} : vector<128x256xf32>, vector<704x256xf32>, vector<128x704xf32> -> vector<128x704xf32>
    %add3A = arith.addf %dot_general3A_18, %dot_general3A_23 : vector<128x704xf32>
    %broadcast_in_dim3A = arith.constant 0.000000e+00 : f32
    %broadcast_in_dim3A_24 = vector.broadcast %broadcast_in_dim3A : f32 to vector<128x64xf32>
    %eq3A = arith.constant 0 : i32
    %eq3A_25 = vector.broadcast %eq3A : i32 to vector<128x1xi32>
    %eq3A_26 = arith.cmpi eq, %get3A_14, %eq3A_25 : vector<128x1xi32>
    %slice3A = vector.extract_strided_slice %add3A {offsets = [0, 0], sizes = [128, 64], strides = [1, 1]} : vector<128x704xf32> to vector<128x64xf32>
    %broadcast_in_dim3A_27 = vector.shape_cast %eq3A_26 : vector<128x1xi1> to vector<128x1xi1>
    %broadcast_in_dim3A_28 = vector.broadcast %broadcast_in_dim3A_27 : vector<128x1xi1> to vector<128x64xi1>
    %select_n3A = arith.select %broadcast_in_dim3A_28, %slice3A, %broadcast_in_dim3A_24 : vector<128x64xi1>, vector<128x64xf32>
    %eq3A_29 = arith.constant 1 : i32
    %eq3A_30 = vector.broadcast %eq3A_29 : i32 to vector<128x1xi32>
    %eq3A_31 = arith.cmpi eq, %get3A_14, %eq3A_30 : vector<128x1xi32>
    %slice3A_32 = vector.extract_strided_slice %add3A {offsets = [0, 64], sizes = [128, 64], strides = [1, 1]} : vector<128x704xf32> to vector<128x64xf32>
    %broadcast_in_dim3A_33 = vector.shape_cast %eq3A_31 : vector<128x1xi1> to vector<128x1xi1>
    %broadcast_in_dim3A_34 = vector.broadcast %broadcast_in_dim3A_33 : vector<128x1xi1> to vector<128x64xi1>
    %select_n3A_35 = arith.select %broadcast_in_dim3A_34, %slice3A_32, %select_n3A : vector<128x64xi1>, vector<128x64xf32>
    %eq3A_36 = arith.constant 2 : i32
    %eq3A_37 = vector.broadcast %eq3A_36 : i32 to vector<128x1xi32>
    %eq3A_38 = arith.cmpi eq, %get3A_14, %eq3A_37 : vector<128x1xi32>
    %slice3A_39 = vector.extract_strided_slice %add3A {offsets = [0, 128], sizes = [128, 64], strides = [1, 1]} : vector<128x704xf32> to vector<128x64xf32>
    %broadcast_in_dim3A_40 = vector.shape_cast %eq3A_38 : vector<128x1xi1> to vector<128x1xi1>
    %broadcast_in_dim3A_41 = vector.broadcast %broadcast_in_dim3A_40 : vector<128x1xi1> to vector<128x64xi1>
    %select_n3A_42 = arith.select %broadcast_in_dim3A_41, %slice3A_39, %select_n3A_35 : vector<128x64xi1>, vector<128x64xf32>
    %eq3A_43 = arith.constant 3 : i32
    %eq3A_44 = vector.broadcast %eq3A_43 : i32 to vector<128x1xi32>
    %eq3A_45 = arith.cmpi eq, %get3A_14, %eq3A_44 : vector<128x1xi32>
    %slice3A_46 = vector.extract_strided_slice %add3A {offsets = [0, 192], sizes = [128, 64], strides = [1, 1]} : vector<128x704xf32> to vector<128x64xf32>
    %broadcast_in_dim3A_47 = vector.shape_cast %eq3A_45 : vector<128x1xi1> to vector<128x1xi1>
    %broadcast_in_dim3A_48 = vector.broadcast %broadcast_in_dim3A_47 : vector<128x1xi1> to vector<128x64xi1>
    %select_n3A_49 = arith.select %broadcast_in_dim3A_48, %slice3A_46, %select_n3A_42 : vector<128x64xi1>, vector<128x64xf32>
    %eq3A_50 = arith.constant 4 : i32
    %eq3A_51 = vector.broadcast %eq3A_50 : i32 to vector<128x1xi32>
    %eq3A_52 = arith.cmpi eq, %get3A_14, %eq3A_51 : vector<128x1xi32>
    %slice3A_53 = vector.extract_strided_slice %add3A {offsets = [0, 256], sizes = [128, 64], strides = [1, 1]} : vector<128x704xf32> to vector<128x64xf32>
    %broadcast_in_dim3A_54 = vector.shape_cast %eq3A_52 : vector<128x1xi1> to vector<128x1xi1>
    %broadcast_in_dim3A_55 = vector.broadcast %broadcast_in_dim3A_54 : vector<128x1xi1> to vector<128x64xi1>
    %select_n3A_56 = arith.select %broadcast_in_dim3A_55, %slice3A_53, %select_n3A_49 : vector<128x64xi1>, vector<128x64xf32>
    %eq3A_57 = arith.constant 5 : i32
    %eq3A_58 = vector.broadcast %eq3A_57 : i32 to vector<128x1xi32>
    %eq3A_59 = arith.cmpi eq, %get3A_14, %eq3A_58 : vector<128x1xi32>
    %slice3A_60 = vector.extract_strided_slice %add3A {offsets = [0, 320], sizes = [128, 64], strides = [1, 1]} : vector<128x704xf32> to vector<128x64xf32>
    %broadcast_in_dim3A_61 = vector.shape_cast %eq3A_59 : vector<128x1xi1> to vector<128x1xi1>
    %broadcast_in_dim3A_62 = vector.broadcast %broadcast_in_dim3A_61 : vector<128x1xi1> to vector<128x64xi1>
    %select_n3A_63 = arith.select %broadcast_in_dim3A_62, %slice3A_60, %select_n3A_56 : vector<128x64xi1>, vector<128x64xf32>
    %eq3A_64 = arith.constant 6 : i32
    %eq3A_65 = vector.broadcast %eq3A_64 : i32 to vector<128x1xi32>
    %eq3A_66 = arith.cmpi eq, %get3A_14, %eq3A_65 : vector<128x1xi32>
    %slice3A_67 = vector.extract_strided_slice %add3A {offsets = [0, 384], sizes = [128, 64], strides = [1, 1]} : vector<128x704xf32> to vector<128x64xf32>
    %broadcast_in_dim3A_68 = vector.shape_cast %eq3A_66 : vector<128x1xi1> to vector<128x1xi1>
    %broadcast_in_dim3A_69 = vector.broadcast %broadcast_in_dim3A_68 : vector<128x1xi1> to vector<128x64xi1>
    %select_n3A_70 = arith.select %broadcast_in_dim3A_69, %slice3A_67, %select_n3A_63 : vector<128x64xi1>, vector<128x64xf32>
    %eq3A_71 = arith.constant 7 : i32
    %eq3A_72 = vector.broadcast %eq3A_71 : i32 to vector<128x1xi32>
    %eq3A_73 = arith.cmpi eq, %get3A_14, %eq3A_72 : vector<128x1xi32>
    %slice3A_74 = vector.extract_strided_slice %add3A {offsets = [0, 448], sizes = [128, 64], strides = [1, 1]} : vector<128x704xf32> to vector<128x64xf32>
    %broadcast_in_dim3A_75 = vector.shape_cast %eq3A_73 : vector<128x1xi1> to vector<128x1xi1>
    %broadcast_in_dim3A_76 = vector.broadcast %broadcast_in_dim3A_75 : vector<128x1xi1> to vector<128x64xi1>
    %select_n3A_77 = arith.select %broadcast_in_dim3A_76, %slice3A_74, %select_n3A_70 : vector<128x64xi1>, vector<128x64xf32>
    %eq3A_78 = arith.constant 8 : i32
    %eq3A_79 = vector.broadcast %eq3A_78 : i32 to vector<128x1xi32>
    %eq3A_80 = arith.cmpi eq, %get3A_14, %eq3A_79 : vector<128x1xi32>
    %slice3A_81 = vector.extract_strided_slice %add3A {offsets = [0, 512], sizes = [128, 64], strides = [1, 1]} : vector<128x704xf32> to vector<128x64xf32>
    %broadcast_in_dim3A_82 = vector.shape_cast %eq3A_80 : vector<128x1xi1> to vector<128x1xi1>
    %broadcast_in_dim3A_83 = vector.broadcast %broadcast_in_dim3A_82 : vector<128x1xi1> to vector<128x64xi1>
    %select_n3A_84 = arith.select %broadcast_in_dim3A_83, %slice3A_81, %select_n3A_77 : vector<128x64xi1>, vector<128x64xf32>
    %eq3A_85 = arith.constant 9 : i32
    %eq3A_86 = vector.broadcast %eq3A_85 : i32 to vector<128x1xi32>
    %eq3A_87 = arith.cmpi eq, %get3A_14, %eq3A_86 : vector<128x1xi32>
    %slice3A_88 = vector.extract_strided_slice %add3A {offsets = [0, 576], sizes = [128, 64], strides = [1, 1]} : vector<128x704xf32> to vector<128x64xf32>
    %broadcast_in_dim3A_89 = vector.shape_cast %eq3A_87 : vector<128x1xi1> to vector<128x1xi1>
    %broadcast_in_dim3A_90 = vector.broadcast %broadcast_in_dim3A_89 : vector<128x1xi1> to vector<128x64xi1>
    %select_n3A_91 = arith.select %broadcast_in_dim3A_90, %slice3A_88, %select_n3A_84 : vector<128x64xi1>, vector<128x64xf32>
    %eq3A_92 = arith.constant 10 : i32
    %eq3A_93 = vector.broadcast %eq3A_92 : i32 to vector<128x1xi32>
    %eq3A_94 = arith.cmpi eq, %get3A_14, %eq3A_93 : vector<128x1xi32>
    %slice3A_95 = vector.extract_strided_slice %add3A {offsets = [0, 640], sizes = [128, 64], strides = [1, 1]} : vector<128x704xf32> to vector<128x64xf32>
    %broadcast_in_dim3A_96 = vector.shape_cast %eq3A_94 : vector<128x1xi1> to vector<128x1xi1>
    %broadcast_in_dim3A_97 = vector.broadcast %broadcast_in_dim3A_96 : vector<128x1xi1> to vector<128x64xi1>
    %select_n3A_98 = arith.select %broadcast_in_dim3A_97, %slice3A_95, %select_n3A_91 : vector<128x64xi1>, vector<128x64xf32>
    %max3A = arith.constant 0.000000e+00 : f32
    %max3A_99 = vector.broadcast %max3A : f32 to vector<128x64xf32>
    %max3A_100 = arith.maximumf %select_n3A_98, %max3A_99 : vector<128x64xf32>
    %swap3A = arith.constant 0 : index
    %swap3A_101 = arith.constant 0 : index
    %swap3A_102 = vector.load %arg6[%swap3A, %swap3A_101] : memref<128x64xf32, #tpu.memory_space<vmem>>, vector<128x64xf32>
    tpu.vector_store %arg6[%swap3A, %swap3A_101], %max3A_100 {strides = array<i32>} : memref<128x64xf32, #tpu.memory_space<vmem>>, vector<128x64xf32>,
    return
  }
  func.func @transform_0(%arg0: i32) -> (i32, i32) {
    %c0_i32 = arith.constant 0 : i32
    %c0_i32_0 = arith.constant 0 : i32
    return %arg0, %c0_i32 : i32, i32
  }
  func.func @transform_1(%arg0: i32) -> (i32, i32, i32) {
    %c0_i32 = arith.constant 0 : i32
    %c0_i32_0 = arith.constant 0 : i32
    %c0_i32_1 = arith.constant 0 : i32
    return %c0_i32, %arg0, %c0_i32_0 : i32, i32, i32
  }
  func.func @transform_2(%arg0: i32) -> (i32, i32) {
    %c0_i32 = arith.constant 0 : i32
    %c0_i32_0 = arith.constant 0 : i32
    return %arg0, %c0_i32 : i32, i32
  }
  func.func @transform_3(%arg0: i32) -> (i32, i32) {
    %c0_i32 = arith.constant 0 : i32
    %c0_i32_0 = arith.constant 0 : i32
    %c0_i32_1 = arith.constant 0 : i32
    return %c0_i32, %c0_i32_0 : i32, i32
  }
  func.func @transform_4(%arg0: i32) -> (i32, i32) {
    %c0_i32 = arith.constant 0 : i32
    %c0_i32_0 = arith.constant 0 : i32
    %c0_i32_1 = arith.constant 0 : i32
    return %c0_i32, %c0_i32_0 : i32, i32
  }
  func.func @transform_5(%arg0: i32) -> (i32, i32) {
    %c0_i32 = arith.constant 0 : i32
    %c0_i32_0 = arith.constant 0 : i32
    return %arg0, %c0_i32 : i32, i32
  }
}

module attributes {stable_mosaic.version = 14 : i64} {
  func.func @_bn1_body(%arg0: i32, %arg1: memref<10112x64xf32, #tpu.memory_space<vmem>>, %arg2: memref<1x64xf32, #tpu.memory_space<vmem>>, %arg3: memref<1x64xf32, #tpu.memory_space<vmem>>, %arg4: memref<64x10112xf32, #tpu.memory_space<vmem>>) attributes {dimension_semantics = [#tpu.dimension_semantics<arbitrary>], iteration_bounds = array<i64: 1>, scalar_prefetch = 0 : i64, scratch_operands = 0 : i64, tpu.core_type = #tpu.core_type<tc>, window_params = [{pipeline_mode = #tpu.pipeline_mode<synchronous>, transform_indices = @transform_0, window_bounds = array<i64: 10112, 64>}, {pipeline_mode = #tpu.pipeline_mode<synchronous>, transform_indices = @transform_1, window_bounds = array<i64: 1, 64>}, {pipeline_mode = #tpu.pipeline_mode<synchronous>, transform_indices = @transform_2, window_bounds = array<i64: 1, 64>}, {pipeline_mode = #tpu.pipeline_mode<synchronous>, transform_indices = @transform_3, window_bounds = array<i64: 64, 10112>}]} {
    %get3A = arith.constant 0 : index
    %get3A_0 = arith.constant 0 : index
    %get3A_1 = vector.load %arg1[%get3A, %get3A_0] : memref<10112x64xf32, #tpu.memory_space<vmem>>, vector<10112x64xf32>
    %iota3A = tpu.iota {dimensions = array<i32: 0>} : vector<10112x64xi32>
    %lt3A = arith.constant 10000 : i32
    %lt3A_2 = vector.broadcast %lt3A : i32 to vector<10112x64xi32>
    %lt3A_3 = arith.cmpi slt, %iota3A, %lt3A_2 : vector<10112x64xi32>
    %jit3A = arith.constant 0.000000e+00 : f32
    %broadcast_in_dim3A = vector.broadcast %jit3A : f32 to vector<10112x64xf32>
    %select_n3A = arith.select %lt3A_3, %get3A_1, %broadcast_in_dim3A : vector<10112x64xi1>, vector<10112x64xf32>
    %reduce_sum3A = arith.constant dense<0.000000e+00> : vector<64xf32>
    %reduce_sum3A_4 = vector.multi_reduction <add>, %select_n3A, %reduce_sum3A [0] : vector<10112x64xf32> to vector<64xf32>
    %broadcast_in_dim3A_5 = vector.shape_cast %reduce_sum3A_4 : vector<64xf32> to vector<1x64xf32>
    %div3A = arith.constant 1.000000e+04 : f32
    %div3A_6 = vector.broadcast %div3A : f32 to vector<1x64xf32>
    %div3A_7 = arith.divf %broadcast_in_dim3A_5, %div3A_6 : vector<1x64xf32>
    %mul3A = arith.mulf %select_n3A, %select_n3A : vector<10112x64xf32>
    %reduce_sum3A_8 = arith.constant dense<0.000000e+00> : vector<64xf32>
    %reduce_sum3A_9 = vector.multi_reduction <add>, %mul3A, %reduce_sum3A_8 [0] : vector<10112x64xf32> to vector<64xf32>
    %broadcast_in_dim3A_10 = vector.shape_cast %reduce_sum3A_9 : vector<64xf32> to vector<1x64xf32>
    %div3A_11 = arith.constant 1.000000e+04 : f32
    %div3A_12 = vector.broadcast %div3A_11 : f32 to vector<1x64xf32>
    %div3A_13 = arith.divf %broadcast_in_dim3A_10, %div3A_12 : vector<1x64xf32>
    %mul3A_14 = arith.mulf %div3A_7, %div3A_7 : vector<1x64xf32>
    %sub3A = arith.subf %div3A_13, %mul3A_14 : vector<1x64xf32>
    %get3A_15 = arith.constant 0 : index
    %get3A_16 = arith.constant 0 : index
    %get3A_17 = vector.load %arg2[%get3A_15, %get3A_16] : memref<1x64xf32, #tpu.memory_space<vmem>>, vector<1x64xf32>
    %add3A = arith.constant 9.99999974E-6 : f32
    %add3A_18 = vector.broadcast %add3A : f32 to vector<1x64xf32>
    %add3A_19 = arith.addf %sub3A, %add3A_18 : vector<1x64xf32>
    %rsqrt3A = math.rsqrt %add3A_19 : vector<1x64xf32>
    %mul3A_20 = arith.mulf %get3A_17, %rsqrt3A : vector<1x64xf32>
    %get3A_21 = arith.constant 0 : index
    %get3A_22 = arith.constant 0 : index
    %get3A_23 = vector.load %arg3[%get3A_21, %get3A_22] : memref<1x64xf32, #tpu.memory_space<vmem>>, vector<1x64xf32>
    %mul3A_24 = arith.mulf %div3A_7, %mul3A_20 : vector<1x64xf32>
    %sub3A_25 = arith.subf %get3A_23, %mul3A_24 : vector<1x64xf32>
    %mul3A_26 = vector.broadcast %mul3A_20 : vector<1x64xf32> to vector<10112x64xf32>
    %mul3A_27 = arith.mulf %select_n3A, %mul3A_26 : vector<10112x64xf32>
    %add3A_28 = vector.broadcast %sub3A_25 : vector<1x64xf32> to vector<10112x64xf32>
    %add3A_29 = arith.addf %mul3A_27, %add3A_28 : vector<10112x64xf32>
    %jit3A_30 = arith.constant 0.000000e+00 : f32
    %broadcast_in_dim3A_31 = vector.broadcast %jit3A_30 : f32 to vector<10112x64xf32>
    %select_n3A_32 = arith.select %lt3A_3, %add3A_29, %broadcast_in_dim3A_31 : vector<10112x64xi1>, vector<10112x64xf32>
    %iota3A_33 = tpu.iota {dimensions = array<i32: 0>} : vector<64x64xi32>
    %iota3A_34 = tpu.iota {dimensions = array<i32: 1>} : vector<64x64xi32>
    %eq3A = arith.cmpi eq, %iota3A_33, %iota3A_34 : vector<64x64xi32>
    %convert_element_type3A = arith.extui %eq3A : vector<64x64xi1> to vector<64x64xi32>
    %convert_element_type3A_35 = arith.sitofp %convert_element_type3A : vector<64x64xi32> to vector<64x64xf32>
    %dot_general3A = arith.constant dense<0.000000e+00> : vector<64x10112xf32>
    %dot_general3A_36 = tpu.matmul %convert_element_type3A_35, %select_n3A_32, %dot_general3A {dimension_numbers = #tpu.dot_dimension_numbers<[1], [1], [0], [0], [0, 0, 1, 0], [], []>, precision = #tpu.contract_precision<fp32>, transpose_lhs_hint = false} : vector<64x64xf32>, vector<10112x64xf32>, vector<64x10112xf32> -> vector<64x10112xf32>
    %swap3A = arith.constant 0 : index
    %swap3A_37 = arith.constant 0 : index
    %swap3A_38 = vector.load %arg4[%swap3A, %swap3A_37] : memref<64x10112xf32, #tpu.memory_space<vmem>>, vector<64x10112xf32>
    tpu.vector_store %arg4[%swap3A, %swap3A_37], %dot_general3A_36 {strides = array<i32>} : memref<64x10112xf32, #tpu.memory_space<vmem>>, vector<64x10112xf32>,
    return
  }
  func.func @transform_0(%arg0: i32) -> (i32, i32) {
    %c0_i32 = arith.constant 0 : i32
    %c0_i32_0 = arith.constant 0 : i32
    %c0_i32_1 = arith.constant 0 : i32
    return %c0_i32, %c0_i32_0 : i32, i32
  }
  func.func @transform_1(%arg0: i32) -> (i32, i32) {
    %c0_i32 = arith.constant 0 : i32
    %c0_i32_0 = arith.constant 0 : i32
    %c0_i32_1 = arith.constant 0 : i32
    return %c0_i32, %c0_i32_0 : i32, i32
  }
  func.func @transform_2(%arg0: i32) -> (i32, i32) {
    %c0_i32 = arith.constant 0 : i32
    %c0_i32_0 = arith.constant 0 : i32
    %c0_i32_1 = arith.constant 0 : i32
    return %c0_i32, %c0_i32_0 : i32, i32
  }
  func.func @transform_3(%arg0: i32) -> (i32, i32) {
    %c0_i32 = arith.constant 0 : i32
    %c0_i32_0 = arith.constant 0 : i32
    %c0_i32_1 = arith.constant 0 : i32
    return %c0_i32, %c0_i32_0 : i32, i32
  }
}

module attributes {stable_mosaic.version = 14 : i64} {
  func.func @_final_body(%arg0: i32, %arg1: memref<2x64x10112xf32, #tpu.memory_space<vmem>>, %arg2: memref<64x64xf32, #tpu.memory_space<vmem>>, %arg3: memref<64x1xf32, #tpu.memory_space<vmem>>, %arg4: memref<64x1xf32, #tpu.memory_space<vmem>>, %arg5: memref<64x1xf32, #tpu.memory_space<vmem>>, %arg6: memref<10112x1xi32, #tpu.memory_space<vmem>>, %arg7: memref<128x64xf32, #tpu.memory_space<vmem>>) attributes {dimension_semantics = [#tpu.dimension_semantics<arbitrary>], iteration_bounds = array<i64: 1>, scalar_prefetch = 0 : i64, scratch_operands = 0 : i64, tpu.core_type = #tpu.core_type<tc>, window_params = [{pipeline_mode = #tpu.pipeline_mode<synchronous>, transform_indices = @transform_0, window_bounds = array<i64: 2, 64, 10112>}, {pipeline_mode = #tpu.pipeline_mode<synchronous>, transform_indices = @transform_1, window_bounds = array<i64: 64, 64>}, {pipeline_mode = #tpu.pipeline_mode<synchronous>, transform_indices = @transform_2, window_bounds = array<i64: 64, 1>}, {pipeline_mode = #tpu.pipeline_mode<synchronous>, transform_indices = @transform_3, window_bounds = array<i64: 64, 1>}, {pipeline_mode = #tpu.pipeline_mode<synchronous>, transform_indices = @transform_4, window_bounds = array<i64: 64, 1>}, {pipeline_mode = #tpu.pipeline_mode<synchronous>, transform_indices = @transform_5, window_bounds = array<i64: 10112, 1>}, {pipeline_mode = #tpu.pipeline_mode<synchronous>, transform_indices = @transform_6, window_bounds = array<i64: 128, 64>}]} {
    %get3A = arith.constant 0 : index
    %get3A_0 = arith.constant 0 : index
    %get3A_1 = arith.constant 0 : index
    %get3A_2 = vector.load %arg1[%get3A, %get3A_0, %get3A_1] : memref<2x64x10112xf32, #tpu.memory_space<vmem>>, vector<1x64x10112xf32>
    %get3A_3 = vector.shape_cast %get3A_2 : vector<1x64x10112xf32> to vector<64x10112xf32>
    %get3A_4 = arith.constant 1 : index
    %get3A_5 = arith.constant 0 : index
    %get3A_6 = arith.constant 0 : index
    %get3A_7 = vector.load %arg1[%get3A_4, %get3A_5, %get3A_6] : memref<2x64x10112xf32, #tpu.memory_space<vmem>>, vector<1x64x10112xf32>
    %get3A_8 = vector.shape_cast %get3A_7 : vector<1x64x10112xf32> to vector<64x10112xf32>
    %max3A = arith.maximumf %get3A_3, %get3A_8 : vector<64x10112xf32>
    %get3A_9 = arith.constant 0 : index
    %get3A_10 = arith.constant 0 : index
    %get3A_11 = vector.load %arg2[%get3A_9, %get3A_10] : memref<64x64xf32, #tpu.memory_space<vmem>>, vector<64x64xf32>
    %dot_general3A = arith.constant dense<0.000000e+00> : vector<64x10112xf32>
    %dot_general3A_12 = tpu.matmul %get3A_11, %max3A, %dot_general3A {dimension_numbers = #tpu.dot_dimension_numbers<[1], [0], [0], [1], [0, 0, 1, 1], [], []>, transpose_lhs_hint = false} : vector<64x64xf32>, vector<64x10112xf32>, vector<64x10112xf32> -> vector<64x10112xf32>
    %get3A_13 = arith.constant 0 : index
    %get3A_14 = arith.constant 0 : index
    %get3A_15 = vector.load %arg3[%get3A_13, %get3A_14] : memref<64x1xf32, #tpu.memory_space<vmem>>, vector<64x1xf32>
    %add3A = vector.broadcast %get3A_15 : vector<64x1xf32> to vector<64x10112xf32>
    %add3A_16 = arith.addf %dot_general3A_12, %add3A : vector<64x10112xf32>
    %max3A_17 = arith.constant 0.000000e+00 : f32
    %max3A_18 = vector.broadcast %max3A_17 : f32 to vector<64x10112xf32>
    %max3A_19 = arith.maximumf %add3A_16, %max3A_18 : vector<64x10112xf32>
    %iota3A = tpu.iota {dimensions = array<i32: 1>} : vector<64x10112xi32>
    %lt3A = arith.constant 10000 : i32
    %lt3A_20 = vector.broadcast %lt3A : i32 to vector<64x10112xi32>
    %lt3A_21 = arith.cmpi slt, %iota3A, %lt3A_20 : vector<64x10112xi32>
    %jit3A = arith.constant 0.000000e+00 : f32
    %broadcast_in_dim3A = vector.broadcast %jit3A : f32 to vector<64x10112xf32>
    %select_n3A = arith.select %lt3A_21, %max3A_19, %broadcast_in_dim3A : vector<64x10112xi1>, vector<64x10112xf32>
    %reduce_sum3A = arith.constant dense<0.000000e+00> : vector<64xf32>
    %reduce_sum3A_22 = vector.multi_reduction <add>, %select_n3A, %reduce_sum3A [1] : vector<64x10112xf32> to vector<64xf32>
    %broadcast_in_dim3A_23 = vector.shape_cast %reduce_sum3A_22 : vector<64xf32> to vector<64x1xf32>
    %div3A = arith.constant 1.000000e+04 : f32
    %div3A_24 = vector.broadcast %div3A : f32 to vector<64x1xf32>
    %div3A_25 = arith.divf %broadcast_in_dim3A_23, %div3A_24 : vector<64x1xf32>
    %mul3A = arith.mulf %select_n3A, %select_n3A : vector<64x10112xf32>
    %reduce_sum3A_26 = arith.constant dense<0.000000e+00> : vector<64xf32>
    %reduce_sum3A_27 = vector.multi_reduction <add>, %mul3A, %reduce_sum3A_26 [1] : vector<64x10112xf32> to vector<64xf32>
    %broadcast_in_dim3A_28 = vector.shape_cast %reduce_sum3A_27 : vector<64xf32> to vector<64x1xf32>
    %div3A_29 = arith.constant 1.000000e+04 : f32
    %div3A_30 = vector.broadcast %div3A_29 : f32 to vector<64x1xf32>
    %div3A_31 = arith.divf %broadcast_in_dim3A_28, %div3A_30 : vector<64x1xf32>
    %mul3A_32 = arith.mulf %div3A_25, %div3A_25 : vector<64x1xf32>
    %sub3A = arith.subf %div3A_31, %mul3A_32 : vector<64x1xf32>
    %get3A_33 = arith.constant 0 : index
    %get3A_34 = arith.constant 0 : index
    %get3A_35 = vector.load %arg4[%get3A_33, %get3A_34] : memref<64x1xf32, #tpu.memory_space<vmem>>, vector<64x1xf32>
    %add3A_36 = arith.constant 9.99999974E-6 : f32
    %add3A_37 = vector.broadcast %add3A_36 : f32 to vector<64x1xf32>
    %add3A_38 = arith.addf %sub3A, %add3A_37 : vector<64x1xf32>
    %rsqrt3A = math.rsqrt %add3A_38 : vector<64x1xf32>
    %mul3A_39 = arith.mulf %get3A_35, %rsqrt3A : vector<64x1xf32>
    %get3A_40 = arith.constant 0 : index
    %get3A_41 = arith.constant 0 : index
    %get3A_42 = vector.load %arg5[%get3A_40, %get3A_41] : memref<64x1xf32, #tpu.memory_space<vmem>>, vector<64x1xf32>
    %mul3A_43 = arith.mulf %div3A_25, %mul3A_39 : vector<64x1xf32>
    %sub3A_44 = arith.subf %get3A_42, %mul3A_43 : vector<64x1xf32>
    %mul3A_45 = vector.broadcast %mul3A_39 : vector<64x1xf32> to vector<64x10112xf32>
    %mul3A_46 = arith.mulf %select_n3A, %mul3A_45 : vector<64x10112xf32>
    %add3A_47 = vector.broadcast %sub3A_44 : vector<64x1xf32> to vector<64x10112xf32>
    %add3A_48 = arith.addf %mul3A_46, %add3A_47 : vector<64x10112xf32>
    %jit3A_49 = arith.constant 0.000000e+00 : f32
    %broadcast_in_dim3A_50 = vector.broadcast %jit3A_49 : f32 to vector<64x10112xf32>
    %select_n3A_51 = arith.select %lt3A_21, %add3A_48, %broadcast_in_dim3A_50 : vector<64x10112xi1>, vector<64x10112xf32>
    %iota3A_52 = tpu.iota {dimensions = array<i32: 1>} : vector<10112x128xi32>
    %get3A_53 = arith.constant 0 : index
    %get3A_54 = arith.constant 0 : index
    %get3A_55 = vector.load %arg6[%get3A_53, %get3A_54] : memref<10112x1xi32, #tpu.memory_space<vmem>>, vector<10112x1xi32>
    %eq3A = vector.broadcast %get3A_55 : vector<10112x1xi32> to vector<10112x128xi32>
    %eq3A_56 = arith.cmpi eq, %eq3A, %iota3A_52 : vector<10112x128xi32>
    %convert_element_type3A = arith.extui %eq3A_56 : vector<10112x128xi1> to vector<10112x128xi32>
    %convert_element_type3A_57 = arith.sitofp %convert_element_type3A : vector<10112x128xi32> to vector<10112x128xf32>
    %dot_general3A_58 = arith.constant dense<0.000000e+00> : vector<64x128xf32>
    %dot_general3A_59 = tpu.matmul %select_n3A_51, %convert_element_type3A_57, %dot_general3A_58 {dimension_numbers = #tpu.dot_dimension_numbers<[1], [0], [0], [1], [0, 0, 1, 1], [], []>, precision = #tpu.contract_precision<fp32>, transpose_lhs_hint = false} : vector<64x10112xf32>, vector<10112x128xf32>, vector<64x128xf32> -> vector<64x128xf32>
    %tanh3A = math.tanh %dot_general3A_59 : vector<64x128xf32>
    %iota3A_60 = tpu.iota {dimensions = array<i32: 0>} : vector<128x128xi32>
    %iota3A_61 = tpu.iota {dimensions = array<i32: 1>} : vector<128x128xi32>
    %eq3A_62 = arith.cmpi eq, %iota3A_60, %iota3A_61 : vector<128x128xi32>
    %convert_element_type3A_63 = arith.extui %eq3A_62 : vector<128x128xi1> to vector<128x128xi32>
    %convert_element_type3A_64 = arith.sitofp %convert_element_type3A_63 : vector<128x128xi32> to vector<128x128xf32>
    %dot_general3A_65 = arith.constant dense<0.000000e+00> : vector<128x64xf32>
    %dot_general3A_66 = tpu.matmul %convert_element_type3A_64, %tanh3A, %dot_general3A_65 {dimension_numbers = #tpu.dot_dimension_numbers<[1], [1], [0], [0], [0, 0, 1, 0], [], []>, precision = #tpu.contract_precision<fp32>, transpose_lhs_hint = false} : vector<128x128xf32>, vector<64x128xf32>, vector<128x64xf32> -> vector<128x64xf32>
    %swap3A = arith.constant 0 : index
    %swap3A_67 = arith.constant 0 : index
    %swap3A_68 = vector.load %arg7[%swap3A, %swap3A_67] : memref<128x64xf32, #tpu.memory_space<vmem>>, vector<128x64xf32>
    tpu.vector_store %arg7[%swap3A, %swap3A_67], %dot_general3A_66 {strides = array<i32>} : memref<128x64xf32, #tpu.memory_space<vmem>>, vector<128x64xf32>,
    return
  }
  func.func @transform_0(%arg0: i32) -> (i32, i32, i32) {
    %c0_i32 = arith.constant 0 : i32
    %c0_i32_0 = arith.constant 0 : i32
    %c0_i32_1 = arith.constant 0 : i32
    %c0_i32_2 = arith.constant 0 : i32
    return %c0_i32, %c0_i32_0, %c0_i32_1 : i32, i32, i32
  }
  func.func @transform_1(%arg0: i32) -> (i32, i32) {
    %c0_i32 = arith.constant 0 : i32
    %c0_i32_0 = arith.constant 0 : i32
    %c0_i32_1 = arith.constant 0 : i32
    return %c0_i32, %c0_i32_0 : i32, i32
  }
  func.func @transform_2(%arg0: i32) -> (i32, i32) {
    %c0_i32 = arith.constant 0 : i32
    %c0_i32_0 = arith.constant 0 : i32
    %c0_i32_1 = arith.constant 0 : i32
    return %c0_i32, %c0_i32_0 : i32, i32
  }
  func.func @transform_3(%arg0: i32) -> (i32, i32) {
    %c0_i32 = arith.constant 0 : i32
    %c0_i32_0 = arith.constant 0 : i32
    %c0_i32_1 = arith.constant 0 : i32
    return %c0_i32, %c0_i32_0 : i32, i32
  }
  func.func @transform_4(%arg0: i32) -> (i32, i32) {
    %c0_i32 = arith.constant 0 : i32
    %c0_i32_0 = arith.constant 0 : i32
    %c0_i32_1 = arith.constant 0 : i32
    return %c0_i32, %c0_i32_0 : i32, i32
  }
  func.func @transform_5(%arg0: i32) -> (i32, i32) {
    %c0_i32 = arith.constant 0 : i32
    %c0_i32_0 = arith.constant 0 : i32
    %c0_i32_1 = arith.constant 0 : i32
    return %c0_i32, %c0_i32_0 : i32, i32
  }
  func.func @transform_6(%arg0: i32) -> (i32, i32) {
    %c0_i32 = arith.constant 0 : i32
    %c0_i32_0 = arith.constant 0 : i32
    %c0_i32_1 = arith.constant 0 : i32
    return %c0_i32, %c0_i32_0 : i32, i32
  }
}

</mosaic_0001>

<sc_bundles>
// kernel: kernel.12.cloned.1.call-start
scs
__scs_entry_jumppad:
0x0: {  	(pc) =	sbr.rel $0x88, $3  }
0x1: {  	(tag) =	ssettag $0x0;
	lr =	simm.s32 $0x1  }
0x2: {  	[smem:$0x3F96] =	sst lr;
	_ =	strace $0xD0000000  }
0x3: {  	_ = 	snop  }
0x4: {  	_ = 	snop  }
0x5: {  	_ = 	snop  }
0x6: {  	_ = 	snop  }
0x7: {  	_ = 	snop  }
__scs_overlays_trampoline_lowered:
0x8: {  	[smem:$0x3FA5] =	sst s0  }
0x9: {  	[smem:$0x3FA6] =	sst s1  }
0xa: {  	[smem:$0x3FA7] =	sst s2  }
0xb: {  	[smem:$0x3FA8] =	sst s3  }
0xc: {  	[smem:$0x3FA9] =	sst s4  }
0xd: {  	[smem:$0x3FAA] =	sst s5  }
0xe: {  	[smem:$0x3FAB] =	sst s6  }
0xf: {  	[smem:$0x3FAC] =	sst s7  }
0x10: {  	[smem:$0x3FAD] =	sst s8  }
0x11: {  	[smem:$0x3FAE] =	sst s9;
	s0 =	simm.s32 @!p0 $0x0  }
0x12: {  	s1 =	sld [smem:$0x3F94];
	s0 =	simm.s32 @p0 $0x1  }
0x13: {  	[smem:$0x3FAF] =	sst s0;
	s0 =	simm.s32 @!p1 $0x0  }
0x14: {  	s2 =	sld [smem:$0x3F93];
	s0 =	simm.s32 @p1 $0x1  }
0x15: {  	[smem:$0x3FB0] =	sst s0;
	s0 =	simm.s32 @!p2 $0x0  }
0x16: {  	s3 =	sld [smem:$0x3FDB];
	s0 =	simm.s32 @p2 $0x1  }
0x17: {  	s4 =	simm.s32 $0x1BF5;
	[smem:$0x3FB2] =	sst s0  }
0x18: {  	s0 =	sld [smem:$0x3F95];
	_ =	swait.ge [sflag:s4], $0x0  }
0x19: {  	s7 =	sld [smem:$0x3F96]  }
0x1a: {  	s8 =	sadd.s32 $0xFFFFE003, lr  }
0x1b: {  	s9 =	sadd.s32 $0xFFFFFEF7, lr;
	s5 =	simm.s32 $0xFFFFFFFF;
	p2 =	slt.u32 s8, $0xFFFFF086  }
0x1c: {  	p1 =	slt.u32 s9, $0xF7A;
	s5 =	simm.s32 @!p2 $0x0  }
0x1d: {  	s5 =	simm.s32 @p1 $0x1;
	p0 =	seq.s32 s7, s2  }
0x1e: {  	s7 =	smul.u32 @!p0 $0xF7A, s2;
	p2 =	seq.s32 @!p0 s5, $0x0  }
0x1f: {  	s9 =	smul.u32 $0xF7A, s1;
	s8 =	simm.s32 @!p0 $0x1BF5;
	p2 =	por !p2, p0  }
0x20: {  	[sflag:s8] =	ssyncset.s32 @!p0 $0xFFFFF086;
	s6 =	sadd.s32 @!p0 s3, s7;
	s7 =	simm.s32 @!p0 $0x108  }
0x21: {  	s3 =	sadd.s32 s3, s9;
	s6 =	sadd.s32 @!p0 $0x88, s6;
	s7 =	simm.s32 @p2 $0x1082  }
0x22: {  	[simem:s7], [sflag:s8] =	dma.local @!p0 [hbm:s6], $0xF7A  }
0x23: {  	s9 =	sor.u32 $0xD0000000, s2;
	s6 =	simm.s32 $0x108;
	_ =	swait.ge @!p0 [sflag:s8], $0x0  }
0x24: {  	s3 =	sadd.s32 $0x88, s3;
	s6 =	simm.s32 @!p1 $0x1082;
	[sflag:s4] =	ssyncset.s32 $0xFFFFF086  }
0x25: {  	[simem:s6], [sflag:s4] =	dma.local [hbm:s3], $0xF7A  }
0x26: {  	[smem:$0x3F96] =	sst s1;
	(tag) =	ssettag s2;
	_ =	strace s9  }
0x27: {  	s1 =	sld [smem:$0x3FA6]  }
0x28: {  	s2 =	sld [smem:$0x3FA7]  }
0x29: {  	s4 =	sld [smem:$0x3FA9]  }
0x2a: {  	p0 =	seq.s32 s5, $0x0;
	s5 =	sld [smem:$0x3FAA]  }
0x2b: {  	s6 =	sld [smem:$0x3FAB]  }
0x2c: {  	s7 =	sld [smem:$0x3FAC]  }
0x2d: {  	s3 =	simm.s32 $0x108;
	s8 =	sld [smem:$0x3FAD]  }
0x2e: {  	s3 =	simm.s32 @!p0 $0x1082;
	s9 =	sld [smem:$0x3FAE]  }
0x2f: {  	lr =	sadd.s32 s0, s3;
	s0 =	sld [smem:$0x3FA5]  }
0x30: {  	s3 =	sld [smem:$0x3FA8]  }
0x31: {  	[smem:$0x3FB1] =	sst s10  }
0x32: {  	s10 =	sld [smem:$0x3FAF];
	_ =	sdelay $0x3  }
0x33: {  	p0 =	seq.s32 s10, $0x1;
	s10 =	sld [smem:$0x3FB1];
	_ =	sdelay $0x3  }
0x34: {  	[smem:$0x3FB1] =	sst s10  }
0x35: {  	s10 =	sld [smem:$0x3FB0];
	_ =	sdelay $0x3  }
0x36: {  	p1 =	seq.s32 s10, $0x1;
	s10 =	sld [smem:$0x3FB1];
	_ =	sdelay $0x3  }
0x37: {  	[smem:$0x3FB1] =	sst s10  }
0x38: {  	s10 =	sld [smem:$0x3FB2]  }
0x39: {  	_ = 	snop;
	(pc) =	sbr.ind lr, $3  }
0x3a: {  	_ = 	snop  }
0x3b: {  	_ = 	snop  }
0x3c: {  	p2 =	seq.s32 s10, $0x1;
	s10 =	sld [smem:$0x3FB1]  }
0x3d: {  	_ =	shalt  }
0x3e: {  	_ =	shalt  }
0x3f: {  	_ =	shalt  }
0x40: {  	_ =	shalt  }
0x41: {  	_ =	shalt  }
0x42: {  	_ =	shalt  }
0x43: {  	_ =	shalt  }
0x44: {  	_ =	shalt  }
0x45: {  	_ =	shalt  }
0x46: {  	_ =	shalt  }
0x47: {  	_ =	shalt  }
0x48: {  	_ =	shalt  }
0x49: {  	_ =	shalt  }
0x4a: {  	_ =	shalt  }
0x4b: {  	_ =	shalt  }
0x4c: {  	_ =	shalt  }
0x4d: {  	_ =	shalt  }
0x4e: {  	_ =	shalt  }
0x4f: {  	_ =	shalt  }
0x50: {  	_ =	shalt  }
0x51: {  	_ =	shalt  }
0x52: {  	_ =	shalt  }
0x53: {  	_ =	shalt  }
0x54: {  	_ =	shalt  }
0x55: {  	_ =	shalt  }
0x56: {  	_ =	shalt  }
0x57: {  	_ =	shalt  }
0x58: {  	_ =	shalt  }
0x59: {  	_ =	shalt  }
0x5a: {  	_ =	shalt  }
0x5b: {  	_ =	shalt  }
0x5c: {  	_ =	shalt  }
0x5d: {  	_ =	shalt  }
0x5e: {  	_ =	shalt  }
0x5f: {  	_ =	shalt  }
0x60: {  	_ =	shalt  }
0x61: {  	_ =	shalt  }
0x62: {  	_ =	shalt  }
0x63: {  	_ =	shalt  }
0x64: {  	_ =	shalt  }
0x65: {  	_ =	shalt  }
0x66: {  	_ =	shalt  }
0x67: {  	_ =	shalt  }
0x68: {  	_ =	shalt  }
0x69: {  	_ =	shalt  }
0x6a: {  	_ =	shalt  }
0x6b: {  	_ =	shalt  }
0x6c: {  	_ =	shalt  }
0x6d: {  	_ =	shalt  }
0x6e: {  	_ =	shalt  }
0x6f: {  	_ =	shalt  }
0x70: {  	_ =	shalt  }
0x71: {  	_ =	shalt  }
0x72: {  	_ =	shalt  }
0x73: {  	_ =	shalt  }
0x74: {  	_ =	shalt  }
0x75: {  	_ =	shalt  }
0x76: {  	_ =	shalt  }
0x77: {  	_ =	shalt  }
0x78: {  	_ =	shalt  }
0x79: {  	_ =	shalt  }
0x7a: {  	_ =	shalt  }
0x7b: {  	_ =	shalt  }
0x7c: {  	_ =	shalt  }
0x7d: {  	_ =	shalt  }
0x7e: {  	_ =	shalt  }
0x7f: {  	_ =	shalt  }
0x80: {  	_ =	shalt  }
0x81: {  	_ =	shalt  }
0x82: {  	_ =	shalt  }
0x83: {  	_ =	shalt  }
0x84: {  	_ =	shalt  }
0x85: {  	_ =	shalt  }
0x86: {  	_ =	shalt  }
0x87: {  	_ =	shalt  }
.Lfunc_end0:
.L_simem_size_0:
called_computation.1_lowered:
.L_overlay_start_0:
0x88: {  	s2 =	sld [smem:$0x3FD9]  }
0x89: {  	s3 =	sld [smem:$0x3FFE];
	_ =	sdelay $0x1  }
0x8a: {  	s1 =	srdreg.scid  }
0x8b: {  	s0 =	sand.u32 $0x1, s1  }
0x8c: {  	s17 =	sshll.u32 s0, $0xA;
	s2 =	sadd.s32 s3, s2  }
0x8d: {  	s2 =	sadd.s32 s2, s17  }
0x8e: {  	[smem:$0x3FBD] =	sst s2  }
0x8f: {  	_ = 	snop  }
0x90: {  	(tm) =	ssettm $0x1  }
0x91: {  	s18 =	sld [smem:$0x3FFB];
	_ =	sdelay $0x3  }
0x92: {  	_ =	strace s18  }
0x93: {  	s2 =	sld [smem:$0x3FFC];
	_ =	sdelay $0x3  }
0x94: {  	_ =	strace s2  }
0x95: {  	s2 =	sld [smem:$0x3FFD];
	_ =	sdelay $0x3  }
0x96: {  	_ =	strace s2  }
0x97: {  	_ =	strace $0x8FFFFFFF  }
0x98: {  	s19 =	sld [smem:$0x3FDB];
	_ =	sdelay $0x1  }
0x99: {  	s20 =	simm.s32 $_scs_section_size  }
0x9a: {  	s4 =	simm.s32 $_size__tile_overlayer_lowered;
	s5 =	simm.s32 $_tile_overlayer_lowered  }
0x9b: {  	s6 =	simm.s32 $0x1BFF;
	s21 =	sshll.u32 s5, $0x1;
	s3 =	sadd.s32 s20, s19  }
0x9c: {  	s22 =	simm.s32 $0x0;
	s4 =	sshll.u32 s4, $0x1;
	s5 =	sadd.s32 s21, s3  }
0x9d: {  	[timem:s22], [sflag:s6] =	dma.local [hbm:s5], s4  }
0x9e: {  	_ =	swait.ge [sflag:s6], s4  }
0x9f: {  	s4 =	ssub.s32 $0x0, s4;
	[sflag:s6] =	ssyncset.done $0x0  }
0xa0: {  	[sflag:s6] =	ssyncadd.s32 s4;
	_ =	sdelay $0x1  }
0xa1: {  	s23 =	simm.s32 $0x1B8B  }
0xa2: {  	_ =	swait.ge [sflag:s23], $0x1  }
0xa3: {  	[sflag:s23] =	ssyncset.done $0x0  }
0xa4: {  	[sflag:s23] =	ssyncadd.s32 $0xFFFFFFFF  }
0xa5: {  	s4 =	sld [smem:$0x0]  }
0xa6: {  	s5 =	sand.u32 $0xFFFFFFFE, s1  }
0xa7: {  	p0 =	sne.s32 s1, s5  }
0xa8: {  	s5 =	sshll.u32 @p0 s5, $0xE  }
0xa9: {  	s5 =	sadd.s32 @p0 $0x11B8D, s5;
	s6 =	sshll.u32 @p0 s4, $0x11  }
0xaa: {  	s5 =	sor.u32 @p0 s6, s5  }
0xab: {  	[sflag:s5] =	ssyncadd.remote.s32 @p0 $0x1;
	_ =	sdelay $0x1  }
0xac: {  	s5 =	simm.s32 @p0 $0x1B8D  }
0xad: {  	_ =	swait.eq @p0 [sflag:s5], $0x1  }
0xae: {  	[sflag:s5] =	ssyncadd.s32 @p0 $0xFFFFFFFF  }
0xaf: {  	s6 =	sshll.u32 @!p0 s1, $0xE  }
0xb0: {  	s6 =	sor.u32 @!p0 $0x4000, s6;
	s5 =	simm.s32 @!p0 $0x1B8D  }
0xb1: {  	s4 =	sshll.u32 @!p0 s4, $0x11;
	s6 =	sadd.s32 @!p0 $0x11B8D, s6;
	_ =	swait.eq @!p0 [sflag:s5], $0x1  }
0xb2: {  	s4 =	sor.u32 @!p0 s4, s6;
	[sflag:s5] =	ssyncadd.s32 @!p0 $0xFFFFFFFF  }
0xb3: {  	s25 =	simm.s32 $0x1B8E;
	s24 =	sld [smem:$0x3FFE];
	[sflag:s4] =	ssyncadd.remote.s32 @!p0 $0x1  }
0xb4: {  	s26 =	simm.s32 $execute0_lowered;
	[smem:$0x3FD2] =	sst s25  }
0xb5: {  	s5 =	sshll.u32 s26, $0x1;
	_ =	strace $0x80000049;
	[dreg:$0x1] =	wrdreg $0xFFFFFFFF  }
0xb6: {  	s28 =	simm.s32 $_size_execute0_lowered;
	s3 =	sadd.s32 s3, s5;
	[dreg:$0x0] =	wrdreg $0x0  }
0xb7: {  	s5 =	sshll.u32 s28, $0x1;
	[dreg:$0x2] =	wrdreg s3  }
0xb8: {  	[dreg:$0x3] =	wrdreg s5  }
0xb9: {  	[dreg:$0x4] =	wrdreg $0xC0  }
0xba: {  	_ =	task [dreg:s22], $0x5FFFF  }
0xbb: {  	[dreg:$0x1] =	wrdreg $0xFFFFFFFF  }
0xbc: {  	[dreg:$0x0] =	wrdreg $0x60  }
0xbd: {  	[dreg:$0x2] =	wrdreg s24  }
0xbe: {  	[dreg:$0x3] =	wrdreg $0xB9000  }
0xbf: {  	[dreg:$0x4] =	wrdreg $0xA  }
0xc0: {  	_ =	task.clear_ibuf [dreg:s22], $0x5FFFF;
	_ =	strace $0x90000049  }
0xc1: {  	s29 =	simm.s32 $0xA;
	_ =	strace $0x8000004B  }
0xc2: {  	_ =	swait.ge [sflag:s29], $0x1  }
0xc3: {  	[sflag:s29] =	ssyncadd.s32 $0xFFFFFFFF  }
0xc4: {  	_ =	strace $0x9000004B  }
0xc5: {  	_ =	sfence  }
0xc6: {  	s30 =	sld [smem:$0x0];
	_ =	sdelay $0x2  }
0xc7: {  	s31 =	sshll.u32 s1, $0xD;
	s1 =	sshrl.u32 s1, $0x2  }
0xc8: {  	s4 =	sand.u32 $0x4000, s31;
	s1 =	sadd.s32 s1, s30  }
0xc9: {  	s0 =	sor.u32 s4, s0;
	s1 =	sshll.u32 s1, $0x11  }
0xca: {  	s0 =	sor.u32 s1, s0  }
0xcb: {  	s0 =	sadd.s32 $0x8F2B, s0  }
0xcc: {  	[sflag:s0] =	ssyncadd.remote.s32 $0x1  }
0xcd: {  	_ =	sfence.sel $0xFFFF  }
0xce: {  	[dreg:$0x0] =	wrdreg $0xFFFFFFFF;
	(pc) =	sbr.abs _section_cstart, $3  }
0xcf: {  	[dreg:$0x1] =	wrdreg $0xFFFFFFFF  }
0xd0: {  	_ =	task.clear_ibuf [dreg:s22], $0x2FFFF;
	_ =	strace $0x9FFFFFFF  }
0xd1: {  	(tm) =	ssettm $0x7FFFFFFF  }
tec
execute0_lowered:
.L_overlay_start_1:
0x0: {  	(tag) =	ssettag $0x1  }
0x1: {  	s6 =	rddreg [dreg:$0x0]  }
0x2: {  	s2 =	rddreg [dreg:$0x1];
	s1 =	stileid.u32  }
0x3: {  	s0 =	rddreg [dreg:$0x2];
	s3 =	simm.s32 $0x0;
	s7 =	srdreg.scid  }
0x4: {  	s15 =	simm.s32 $0x7800;
	s16 =	simm.s32 $0x7900;
	s17 =	simm.s32 $0x40  }
0x5: {  	s18 =	simm.s32 $0x7880;
	s19 =	simm.s32 $0x9900;
	s20 =	simm.s32 $0x1  }
0x6: {  	s21 =	simm.s32 $0x2;
	s23 =	simm.s32 $0x7780;
	s8 =	smul.u32 $0xA00, s1  }
0x7: {  	s24 =	simm.s32 $0x0;
	s4 =	sshrl.u32 s1, $0x3;
	s9 =	smul.u32 $0x13C00, s1  }
0x8: {  	s5 =	sshll.u32 s1, $0x7;
	s22 =	sand.u32 $0x1, s7;
	s11 =	smul.u32 $0x4F000, s1  }
0x9: {  	[smem:$0x7FF] =	sst s3;
	s13 =	sshll.u32 s1, $0x6;
	s4 =	smul.u32 $0x14000, s4  }
0xa: {  	s5 =	sand.u32 $0x380, s5;
	s30 =	smul.u32 $0x13C000, s22;
	_ =	strace $0x8000004A  }
0xb: {  	s10 =	ssub.s32 $0x2, s22;
	s13 =	sor.u32 $0x1C03, s13;
	v0 =	vmov s22;
	s22 =	simm.s32 $0x7700  }
0xc: {  	s8 =	sadd.s32 s8, s6;
	s12 =	sshrl.u32 s10, $0x1;
	s11 =	sshrl.u32 s11, $0x2  }
0xd: {  	s4 =	sor.u32 s5, s4;
	s9 =	sadd.s32 s9, s30;
	s5 =	sadd.s32 $0x73800, s6  }
0xe: {  	s10 =	ssub.s32 s10, s12;
	s14 =	sadd.s32 s11, s2;
	s11 =	simm.s32 $0x400  }
0xf: {  	s12 =	simm.s32 $0x3;
	s31 =	sshrl.u32 s4, $0x3;
	s4 =	sadd.s32 $0x25600, s6  }
0x10: {  	s9 =	sshrl.u32 s9, $0x3;
	s14 =	sshrl.u32 s14, $0x3;
	s7 =	sadd.s32 s31, s6  }
0x11: {  	s9 =	sadd.s32 s9, s6;
	s6 =	sadd.s32 $0x20600, s7;
	s7 =	sadd.s32 $0x16600, s8  }
0x12: {  	s8 =	sadd.s32 $0x76000, s9;
	s9 =	smax.u32 s10, $0x1;
	s10 =	simm.s32 $0x80  }
.LBB2_1:
0x13: {  	[tilespmem:s3], [sflag:$0x3] =	stream.strided.gather [hbm4b:s6+s10], $0x2800, s11, s10, $0x38;
	[tilespmem:$0x1F500] =	vst v63  }
0x14: {  	_ =	swait.ge [sflag:s12], $0x2800  }
0x15: {  	[sflag:s12] =	ssyncset.done $0x0  }
0x16: {  	s25 =	simm.s32 $0x2800;
	[sflag:s12] =	ssyncadd.s32 $0xFFFFD800  }
0x17: {  	[tilespmem:s25], [sflag:$0x3] =	stream.linear.gather [hbm4b:s7+s3], $0x5000, $0x38;
	[tilespmem:$0x1F500] =	vst v63  }
0x18: {  	_ =	swait.ge [sflag:s12], $0x5000  }
0x19: {  	[sflag:s12] =	ssyncset.done $0x0  }
0x1a: {  	[sflag:s12] =	ssyncadd.s32 $0xFFFFB000  }
0x1b: {  	[spmem:s14], [sflag:s13] =	dma.local [hbm:s5], $0x2780  }
0x1c: {  	_ =	swait.ge [sflag:s12], $0x2780  }
0x1d: {  	[sflag:s12] =	ssyncset.done $0x0  }
0x1e: {  	[sflag:s12] =	ssyncadd.s32 $0xFFFFD880  }
0x1f: {  	[bflag:$0x0] =	sbarrier.arrive $0xFFFF  }
0x20: {  	v1 =	vld [tilespmem:$0x0]  }
0x21: {  	v2 =	vld [tilespmem:$0x10]  }
0x22: {  	v3 =	vld [tilespmem:$0x20]  }
0x23: {  	v4 =	vld [tilespmem:$0x30];
	_ =	sdelay $0x1  }
0x24: {  	v1 =	vshll.u32 v1, $0x1  }
0x25: {  	v2 =	vshll.u32 v2, $0x1;
	v1 =	vor.u32 v0, v1  }
0x26: {  	[tilespmem:$0x7800] =	vst v1;
	v1 =	vor.u32 v0, v2;
	v2 =	vshll.u32 v3, $0x1  }
0x27: {  	[tilespmem:$0x7810] =	vst v1;
	v1 =	vor.u32 v0, v2;
	v2 =	vshll.u32 v4, $0x1  }
0x28: {  	[tilespmem:$0x7820] =	vst v1;
	v1 =	vor.u32 v0, v2  }
0x29: {  	s26 =	simm.s32 $0xB0;
	[tilespmem:$0x7830] =	vst v1  }
0x2a: {  	[tilespmem:s16], [sflag:$0x1] =	stream.indirect.gather [hbm4b:s4+s17], $0x80, s15, s17, $0xb8;
	[tilespmem:$0x1F500] =	vst v63  }
0x2b: {  	v1 =	vld [tilespmem:s26+$0xFFFFFF90];
	_ =	sdelay $0x4  }
0x2c: {  	v1 =	vshll.u32 v1, $0x1  }
0x2d: {  	v1 =	vor.u32 v0, v1  }
0x2e: {  	s28 =	sor.u32 $0x50, s17;
	[tilespmem:$0x7880] =	vst v1  }
0x2f: {  	v1 =	vld [tilespmem:s28+$0x0];
	_ =	sdelay $0x4  }
0x30: {  	v1 =	vshll.u32 v1, $0x1  }
0x31: {  	v1 =	vor.u32 v0, v1  }
0x32: {  	s28 =	sor.u32 $0x60, s17;
	[tilespmem:$0x7890] =	vst v1  }
0x33: {  	v1 =	vld [tilespmem:s28+$0x0];
	_ =	sdelay $0x4  }
0x34: {  	v1 =	vshll.u32 v1, $0x1  }
0x35: {  	v1 =	vor.u32 v0, v1  }
0x36: {  	s28 =	sor.u32 $0x70, s17;
	[tilespmem:$0x78A0] =	vst v1  }
0x37: {  	v1 =	vld [tilespmem:s28+$0x0];
	_ =	sdelay $0x4  }
0x38: {  	v1 =	vshll.u32 v1, $0x1  }
0x39: {  	v1 =	vor.u32 v0, v1  }
0x3a: {  	[tilespmem:$0x78B0] =	vst v1  }
0x3b: {  	[tilespmem:s19], [sflag:$0x2] =	stream.indirect.gather [hbm4b:s4+s17], $0x80, s18, s17, $0xb8;
	[tilespmem:$0x1F500] =	vst v63  }
0x3c: {  	_ =	swait.ge [sflag:s20], $0x2000  }
0x3d: {  	[sflag:s20] =	ssyncset.done $0x0  }
0x3e: {  	[sflag:s20] =	ssyncadd.s32 $0xFFFFE000  }
0x3f: {  	[spmem:s2] =	stream.indirect.scatter.add.f32 [tilespmem:s16], [sflag:$0x3], $0x80, s25, s17, $0xb8;
	[tilespmem:$0x1F500] =	vst v63  }
0x40: {  	_ =	swait.ge [sflag:s12], $0x2000  }
0x41: {  	[sflag:s12] =	ssyncset.done $0x0  }
0x42: {  	[sflag:s12] =	ssyncadd.s32 $0xFFFFE000  }
0x43: {  	v1 =	vld [tilespmem:s26+$0xFFFFFFD0];
	_ =	sdelay $0x4  }
0x44: {  	v1 =	vshll.u32 v1, $0x1  }
0x45: {  	v1 =	vor.u32 v0, v1  }
0x46: {  	[tilespmem:$0x7800] =	vst v1  }
0x47: {  	v1 =	vld [tilespmem:s26+$0xFFFFFFE0];
	_ =	sdelay $0x4  }
0x48: {  	v1 =	vshll.u32 v1, $0x1  }
0x49: {  	v1 =	vor.u32 v0, v1  }
0x4a: {  	[tilespmem:$0x7810] =	vst v1  }
0x4b: {  	v1 =	vld [tilespmem:s26+$0xFFFFFFF0];
	_ =	sdelay $0x4  }
0x4c: {  	v1 =	vshll.u32 v1, $0x1  }
0x4d: {  	v1 =	vor.u32 v0, v1  }
0x4e: {  	[tilespmem:$0x7820] =	vst v1  }
0x4f: {  	v1 =	vld [tilespmem:s26+$0x0];
	_ =	sdelay $0x4  }
0x50: {  	v1 =	vshll.u32 v1, $0x1  }
0x51: {  	v1 =	vor.u32 v0, v1  }
0x52: {  	[tilespmem:$0x7830] =	vst v1  }
0x53: {  	[tilespmem:s16], [sflag:$0x1] =	stream.indirect.gather [hbm4b:s4+s17], $0x80, s15, s17, $0xb8;
	[tilespmem:$0x1F500] =	vst v63  }
0x54: {  	_ =	swait.ge [sflag:s21], $0x2000  }
0x55: {  	[sflag:s21] =	ssyncset.done $0x0  }
0x56: {  	s28 =	simm.s32 $0x2880;
	[sflag:s21] =	ssyncadd.s32 $0xFFFFE000  }
0x57: {  	[spmem:s2] =	stream.indirect.scatter.add.f32 [tilespmem:s19], [sflag:$0x3], $0x80, s28, s17, $0xb8;
	[tilespmem:$0x1F500] =	vst v63  }
0x58: {  	_ =	swait.ge [sflag:s12], $0x2000  }
0x59: {  	s28 =	simm.s32 $0xC0;
	[sflag:s12] =	ssyncset.done $0x0  }
.LBB2_2:
0x5a: {  	[sflag:s12] =	ssyncadd.s32 $0xFFFFE000;
	s25 =	sadd.s32 $0x100, s25;
	s26 =	sadd.s32 $0x80, s26  }
0x5b: {  	p0 =	sne.s32 s28, $0x2740;
	s29 =	smov.u32 s28;
	s28 =	sadd.s32 $0x80, s28;
	v1 =	vld [tilespmem:s26+$0xFFFFFF90]  }
0x5c: {  	_ =	sdelay $0x3  }
0x5d: {  	v1 =	vshll.u32 v1, $0x1  }
0x5e: {  	v1 =	vor.u32 v0, v1  }
0x5f: {  	s30 =	sor.u32 $0x50, s29;
	[tilespmem:$0x7880] =	vst v1  }
0x60: {  	v1 =	vld [tilespmem:s30+$0x0];
	_ =	sdelay $0x4  }
0x61: {  	v1 =	vshll.u32 v1, $0x1  }
0x62: {  	v1 =	vor.u32 v0, v1  }
0x63: {  	s30 =	sor.u32 $0x60, s29;
	[tilespmem:$0x7890] =	vst v1  }
0x64: {  	v1 =	vld [tilespmem:s30+$0x0];
	_ =	sdelay $0x4  }
0x65: {  	v1 =	vshll.u32 v1, $0x1  }
0x66: {  	v1 =	vor.u32 v0, v1  }
0x67: {  	s29 =	sor.u32 $0x70, s29;
	[tilespmem:$0x78A0] =	vst v1  }
0x68: {  	v1 =	vld [tilespmem:s29+$0x0];
	_ =	sdelay $0x4  }
0x69: {  	v1 =	vshll.u32 v1, $0x1  }
0x6a: {  	v1 =	vor.u32 v0, v1  }
0x6b: {  	[tilespmem:$0x78B0] =	vst v1  }
0x6c: {  	[tilespmem:s19], [sflag:$0x2] =	stream.indirect.gather [hbm4b:s4+s17], $0x80, s18, s17, $0xb8;
	[tilespmem:$0x1F500] =	vst v63  }
0x6d: {  	_ =	swait.ge [sflag:s20], $0x2000  }
0x6e: {  	[sflag:s20] =	ssyncset.done $0x0  }
0x6f: {  	[sflag:s20] =	ssyncadd.s32 $0xFFFFE000  }
0x70: {  	[spmem:s2] =	stream.indirect.scatter.add.f32 [tilespmem:s16], [sflag:$0x3], $0x80, s25, s17, $0xb8;
	[tilespmem:$0x1F500] =	vst v63  }
0x71: {  	_ =	swait.ge [sflag:s12], $0x2000  }
0x72: {  	[sflag:s12] =	ssyncset.done $0x0  }
0x73: {  	[sflag:s12] =	ssyncadd.s32 $0xFFFFE000  }
0x74: {  	v1 =	vld [tilespmem:s26+$0xFFFFFFD0];
	_ =	sdelay $0x4  }
0x75: {  	v1 =	vshll.u32 v1, $0x1  }
0x76: {  	v1 =	vor.u32 v0, v1  }
0x77: {  	[tilespmem:$0x7800] =	vst v1  }
0x78: {  	v1 =	vld [tilespmem:s26+$0xFFFFFFE0];
	_ =	sdelay $0x4  }
0x79: {  	v1 =	vshll.u32 v1, $0x1  }
0x7a: {  	v1 =	vor.u32 v0, v1  }
0x7b: {  	[tilespmem:$0x7810] =	vst v1  }
0x7c: {  	v1 =	vld [tilespmem:s26+$0xFFFFFFF0];
	_ =	sdelay $0x4  }
0x7d: {  	v1 =	vshll.u32 v1, $0x1  }
0x7e: {  	v1 =	vor.u32 v0, v1  }
0x7f: {  	[tilespmem:$0x7820] =	vst v1  }
0x80: {  	v1 =	vld [tilespmem:s26+$0x0];
	_ =	sdelay $0x4  }
0x81: {  	v1 =	vshll.u32 v1, $0x1  }
0x82: {  	v1 =	vor.u32 v0, v1  }
0x83: {  	[tilespmem:$0x7830] =	vst v1  }
0x84: {  	[tilespmem:s16], [sflag:$0x1] =	stream.indirect.gather [hbm4b:s4+s17], $0x80, s15, s17, $0xb8;
	[tilespmem:$0x1F500] =	vst v63  }
0x85: {  	_ =	swait.ge [sflag:s21], $0x2000  }
.Ltmp0:
0x86: {  	[sflag:s21] =	ssyncset.done $0x0;
	(pc) =	sbr.rel @p0 .LBB2_2-.Ltmp0, $4  }
0x87: {  	s29 =	sadd.s32 $0x80, s25;
	[sflag:s21] =	ssyncadd.s32 $0xFFFFE000  }
0x88: {  	[spmem:s2] =	stream.indirect.scatter.add.f32 [tilespmem:s19], [sflag:$0x3], $0x80, s29, s17, $0xb8;
	[tilespmem:$0x1F500] =	vst v63  }
0x89: {  	_ =	swait.ge [sflag:s12], $0x2000  }
0x8a: {  	[sflag:s12] =	ssyncset.done $0x0  }
0x8b: {  	[sflag:s12] =	ssyncadd.s32 $0xFFFFE000  }
0x8c: {  	v1 =	vld [tilespmem:$0x27C0]  }
0x8d: {  	v2 =	vld [tilespmem:$0x27D0]  }
0x8e: {  	v3 =	vld [tilespmem:$0x27E0]  }
0x8f: {  	v4 =	vld [tilespmem:$0x27F0];
	_ =	sdelay $0x1  }
0x90: {  	v1 =	vshll.u32 v1, $0x1  }
0x91: {  	v2 =	vshll.u32 v2, $0x1;
	v1 =	vor.u32 v0, v1  }
0x92: {  	[tilespmem:$0x7880] =	vst v1;
	v1 =	vor.u32 v0, v2;
	v2 =	vshll.u32 v3, $0x1  }
0x93: {  	[tilespmem:$0x7890] =	vst v1;
	v1 =	vor.u32 v0, v2;
	v2 =	vshll.u32 v4, $0x1  }
0x94: {  	[tilespmem:$0x78A0] =	vst v1;
	v1 =	vor.u32 v0, v2  }
0x95: {  	[tilespmem:$0x78B0] =	vst v1  }
0x96: {  	[tilespmem:s19], [sflag:$0x2] =	stream.indirect.gather [hbm4b:s4+s17], $0x80, s18, s17, $0xb8;
	[tilespmem:$0x1F500] =	vst v63  }
0x97: {  	_ =	swait.ge [sflag:s20], $0x2000  }
0x98: {  	[sflag:s20] =	ssyncset.done $0x0  }
0x99: {  	[sflag:s20] =	ssyncadd.s32 $0xFFFFE000  }
0x9a: {  	[spmem:s2] =	stream.indirect.scatter.add.f32 [tilespmem:s16], [sflag:$0x3], $0x80, s22, s17, $0xb8;
	[tilespmem:$0x1F500] =	vst v63  }
0x9b: {  	_ =	swait.ge [sflag:s12], $0x2000  }
0x9c: {  	[sflag:s12] =	ssyncset.done $0x0  }
0x9d: {  	[sflag:s12] =	ssyncadd.s32 $0xFFFFE000  }
0x9e: {  	_ =	swait.ge [sflag:s21], $0x2000  }
0x9f: {  	[sflag:s21] =	ssyncset.done $0x0  }
0xa0: {  	[sflag:s21] =	ssyncadd.s32 $0xFFFFE000  }
0xa1: {  	[spmem:s2] =	stream.indirect.scatter.add.f32 [tilespmem:s19], [sflag:$0x3], $0x80, s23, s17, $0xb8;
	[tilespmem:$0x1F500] =	vst v63  }
0xa2: {  	_ =	swait.ge [sflag:s12], $0x2000  }
0xa3: {  	s24 =	sadd.s32 $0x1, s24;
	[sflag:s12] =	ssyncset.done $0x0  }
0xa4: {  	p0 =	sne.s32 s24, s9;
	[sflag:s12] =	ssyncadd.s32 $0xFFFFE000  }
.Ltmp1:
0xa5: {  	[bflag:$0x0] =	sbarrier.arrive $0xFFFF;
	(pc) =	sbr.rel @p0 .LBB2_1-.Ltmp1, $4  }
0xa6: {  	[hbm:s8], [sflag:s13] =	dma.local [spmem:s14], $0x2780  }
0xa7: {  	_ =	swait.ge [sflag:s12], $0x2780  }
0xa8: {  	[sflag:s12] =	ssyncset.done $0x0  }
0xa9: {  	[sflag:s12] =	ssyncadd.s32 $0xFFFFD880  }
0xaa: {  	_ =	sfence.sel $0x180000  }
0xab: {  	[bflag:$0x0] =	sbarrier.arrive $0xFFFF  }
0xac: {  	p0 =	sne.s32 s1, $0x0;
	_ =	strace $0x9000004A  }
0xad: {  	s0 =	sadd.s32 @!p0 $0x100000, s0;
	[bflag:$0x2] =	sbarrier.arrive $0xFFFF  }
0xae: {  	[sflag:s0] =	ssyncadd.tile.s32 @!p0 $0x1;
	_ =	shalt  }
.Lfunc_end2:
_tile_overlayer_lowered:
.L_overlay_start_2:
0xaf: {  	(tag) =	ssettag $0x2  }
0xb0: {  	s0 =	rddreg [dreg:$0x0];
	s2 =	stileid.u32  }
0xb1: {  	s1 =	rddreg [dreg:$0x1];
	p0 =	sne.s32 s2, $0x0  }
0xb2: {  	s3 =	rddreg [dreg:$0x2];
	[bflag:$0x3] =	sbarrier.arrive $0xFFFF;
	s2 =	simm.s32 @!p0 $0x1C03  }
0xb3: {  	[timem:s3], [sflag:s2] =	dma.local @!p0 [hbm:s0], s1  }
0xb4: {  	s0 =	simm.s32 @!p0 $0x3  }
0xb5: {  	_ =	swait.ge @!p0 [sflag:s0], s1  }
0xb6: {  	s1 =	ssub.s32 @!p0 $0x0, s1;
	[sflag:s0] =	ssyncset.done @!p0 $0x0  }
0xb7: {  	[sflag:s0] =	ssyncadd.s32 @!p0 s1  }
0xb8: {  	[bflag:$0x3] =	sbarrier.arrive $0xFFFF  }
0xb9: {  	_ =	shalt  }

// kernel: kernel.15.cloned.1.call-start
scs
__scs_entry_jumppad:
0x0: {  	(pc) =	sbr.rel $0x88, $3  }
0x1: {  	(tag) =	ssettag $0x0;
	lr =	simm.s32 $0x1  }
0x2: {  	[smem:$0x3F96] =	sst lr;
	_ =	strace $0xD0000000  }
0x3: {  	_ = 	snop  }
0x4: {  	_ = 	snop  }
0x5: {  	_ = 	snop  }
0x6: {  	_ = 	snop  }
0x7: {  	_ = 	snop  }
__scs_overlays_trampoline_lowered:
0x8: {  	[smem:$0x3FA5] =	sst s0  }
0x9: {  	[smem:$0x3FA6] =	sst s1  }
0xa: {  	[smem:$0x3FA7] =	sst s2  }
0xb: {  	[smem:$0x3FA8] =	sst s3  }
0xc: {  	[smem:$0x3FA9] =	sst s4  }
0xd: {  	[smem:$0x3FAA] =	sst s5  }
0xe: {  	[smem:$0x3FAB] =	sst s6  }
0xf: {  	[smem:$0x3FAC] =	sst s7  }
0x10: {  	[smem:$0x3FAD] =	sst s8  }
0x11: {  	[smem:$0x3FAE] =	sst s9;
	s0 =	simm.s32 @!p0 $0x0  }
0x12: {  	s1 =	sld [smem:$0x3F94];
	s0 =	simm.s32 @p0 $0x1  }
0x13: {  	[smem:$0x3FAF] =	sst s0;
	s0 =	simm.s32 @!p1 $0x0  }
0x14: {  	s2 =	sld [smem:$0x3F93];
	s0 =	simm.s32 @p1 $0x1  }
0x15: {  	[smem:$0x3FB0] =	sst s0;
	s0 =	simm.s32 @!p2 $0x0  }
0x16: {  	s3 =	sld [smem:$0x3FDB];
	s0 =	simm.s32 @p2 $0x1  }
0x17: {  	s4 =	simm.s32 $0x1BF5;
	[smem:$0x3FB2] =	sst s0  }
0x18: {  	s0 =	sld [smem:$0x3F95];
	_ =	swait.ge [sflag:s4], $0x0  }
0x19: {  	s7 =	sld [smem:$0x3F96]  }
0x1a: {  	s8 =	sadd.s32 $0xFFFFE003, lr  }
0x1b: {  	s9 =	sadd.s32 $0xFFFFFEF7, lr;
	s5 =	simm.s32 $0xFFFFFFFF;
	p2 =	slt.u32 s8, $0xFFFFF086  }
0x1c: {  	p1 =	slt.u32 s9, $0xF7A;
	s5 =	simm.s32 @!p2 $0x0  }
0x1d: {  	s5 =	simm.s32 @p1 $0x1;
	p0 =	seq.s32 s7, s2  }
0x1e: {  	s7 =	smul.u32 @!p0 $0xF7A, s2;
	p2 =	seq.s32 @!p0 s5, $0x0  }
0x1f: {  	s9 =	smul.u32 $0xF7A, s1;
	s8 =	simm.s32 @!p0 $0x1BF5;
	p2 =	por !p2, p0  }
0x20: {  	[sflag:s8] =	ssyncset.s32 @!p0 $0xFFFFF086;
	s6 =	sadd.s32 @!p0 s3, s7;
	s7 =	simm.s32 @!p0 $0x108  }
0x21: {  	s3 =	sadd.s32 s3, s9;
	s6 =	sadd.s32 @!p0 $0x88, s6;
	s7 =	simm.s32 @p2 $0x1082  }
0x22: {  	[simem:s7], [sflag:s8] =	dma.local @!p0 [hbm:s6], $0xF7A  }
0x23: {  	s9 =	sor.u32 $0xD0000000, s2;
	s6 =	simm.s32 $0x108;
	_ =	swait.ge @!p0 [sflag:s8], $0x0  }
0x24: {  	s3 =	sadd.s32 $0x88, s3;
	s6 =	simm.s32 @!p1 $0x1082;
	[sflag:s4] =	ssyncset.s32 $0xFFFFF086  }
0x25: {  	[simem:s6], [sflag:s4] =	dma.local [hbm:s3], $0xF7A  }
0x26: {  	[smem:$0x3F96] =	sst s1;
	(tag) =	ssettag s2;
	_ =	strace s9  }
0x27: {  	s1 =	sld [smem:$0x3FA6]  }
0x28: {  	s2 =	sld [smem:$0x3FA7]  }
0x29: {  	s4 =	sld [smem:$0x3FA9]  }
0x2a: {  	p0 =	seq.s32 s5, $0x0;
	s5 =	sld [smem:$0x3FAA]  }
0x2b: {  	s6 =	sld [smem:$0x3FAB]  }
0x2c: {  	s7 =	sld [smem:$0x3FAC]  }
0x2d: {  	s3 =	simm.s32 $0x108;
	s8 =	sld [smem:$0x3FAD]  }
0x2e: {  	s3 =	simm.s32 @!p0 $0x1082;
	s9 =	sld [smem:$0x3FAE]  }
0x2f: {  	lr =	sadd.s32 s0, s3;
	s0 =	sld [smem:$0x3FA5]  }
0x30: {  	s3 =	sld [smem:$0x3FA8]  }
0x31: {  	[smem:$0x3FB1] =	sst s10  }
0x32: {  	s10 =	sld [smem:$0x3FAF];
	_ =	sdelay $0x3  }
0x33: {  	p0 =	seq.s32 s10, $0x1;
	s10 =	sld [smem:$0x3FB1];
	_ =	sdelay $0x3  }
0x34: {  	[smem:$0x3FB1] =	sst s10  }
0x35: {  	s10 =	sld [smem:$0x3FB0];
	_ =	sdelay $0x3  }
0x36: {  	p1 =	seq.s32 s10, $0x1;
	s10 =	sld [smem:$0x3FB1];
	_ =	sdelay $0x3  }
0x37: {  	[smem:$0x3FB1] =	sst s10  }
0x38: {  	s10 =	sld [smem:$0x3FB2]  }
0x39: {  	_ = 	snop;
	(pc) =	sbr.ind lr, $3  }
0x3a: {  	_ = 	snop  }
0x3b: {  	_ = 	snop  }
0x3c: {  	p2 =	seq.s32 s10, $0x1;
	s10 =	sld [smem:$0x3FB1]  }
0x3d: {  	_ =	shalt  }
0x3e: {  	_ =	shalt  }
0x3f: {  	_ =	shalt  }
0x40: {  	_ =	shalt  }
0x41: {  	_ =	shalt  }
0x42: {  	_ =	shalt  }
0x43: {  	_ =	shalt  }
0x44: {  	_ =	shalt  }
0x45: {  	_ =	shalt  }
0x46: {  	_ =	shalt  }
0x47: {  	_ =	shalt  }
0x48: {  	_ =	shalt  }
0x49: {  	_ =	shalt  }
0x4a: {  	_ =	shalt  }
0x4b: {  	_ =	shalt  }
0x4c: {  	_ =	shalt  }
0x4d: {  	_ =	shalt  }
0x4e: {  	_ =	shalt  }
0x4f: {  	_ =	shalt  }
0x50: {  	_ =	shalt  }
0x51: {  	_ =	shalt  }
0x52: {  	_ =	shalt  }
0x53: {  	_ =	shalt  }
0x54: {  	_ =	shalt  }
0x55: {  	_ =	shalt  }
0x56: {  	_ =	shalt  }
0x57: {  	_ =	shalt  }
0x58: {  	_ =	shalt  }
0x59: {  	_ =	shalt  }
0x5a: {  	_ =	shalt  }
0x5b: {  	_ =	shalt  }
0x5c: {  	_ =	shalt  }
0x5d: {  	_ =	shalt  }
0x5e: {  	_ =	shalt  }
0x5f: {  	_ =	shalt  }
0x60: {  	_ =	shalt  }
0x61: {  	_ =	shalt  }
0x62: {  	_ =	shalt  }
0x63: {  	_ =	shalt  }
0x64: {  	_ =	shalt  }
0x65: {  	_ =	shalt  }
0x66: {  	_ =	shalt  }
0x67: {  	_ =	shalt  }
0x68: {  	_ =	shalt  }
0x69: {  	_ =	shalt  }
0x6a: {  	_ =	shalt  }
0x6b: {  	_ =	shalt  }
0x6c: {  	_ =	shalt  }
0x6d: {  	_ =	shalt  }
0x6e: {  	_ =	shalt  }
0x6f: {  	_ =	shalt  }
0x70: {  	_ =	shalt  }
0x71: {  	_ =	shalt  }
0x72: {  	_ =	shalt  }
0x73: {  	_ =	shalt  }
0x74: {  	_ =	shalt  }
0x75: {  	_ =	shalt  }
0x76: {  	_ =	shalt  }
0x77: {  	_ =	shalt  }
0x78: {  	_ =	shalt  }
0x79: {  	_ =	shalt  }
0x7a: {  	_ =	shalt  }
0x7b: {  	_ =	shalt  }
0x7c: {  	_ =	shalt  }
0x7d: {  	_ =	shalt  }
0x7e: {  	_ =	shalt  }
0x7f: {  	_ =	shalt  }
0x80: {  	_ =	shalt  }
0x81: {  	_ =	shalt  }
0x82: {  	_ =	shalt  }
0x83: {  	_ =	shalt  }
0x84: {  	_ =	shalt  }
0x85: {  	_ =	shalt  }
0x86: {  	_ =	shalt  }
0x87: {  	_ =	shalt  }
.Lfunc_end0:
.L_simem_size_0:
called_computation.2_lowered:
.L_overlay_start_0:
0x88: {  	s2 =	sld [smem:$0x3FD9]  }
0x89: {  	s3 =	sld [smem:$0x3FFE];
	_ =	sdelay $0x1  }
0x8a: {  	s1 =	srdreg.scid  }
0x8b: {  	s0 =	sand.u32 $0x1, s1  }
0x8c: {  	s16 =	sshll.u32 s0, $0xA;
	s2 =	sadd.s32 s3, s2  }
0x8d: {  	s2 =	sadd.s32 s2, s16  }
0x8e: {  	[smem:$0x3FBD] =	sst s2  }
0x8f: {  	_ = 	snop  }
0x90: {  	(tm) =	ssettm $0x1  }
0x91: {  	s17 =	sld [smem:$0x3FFB];
	_ =	sdelay $0x3  }
0x92: {  	_ =	strace s17  }
0x93: {  	s2 =	sld [smem:$0x3FFC];
	_ =	sdelay $0x3  }
0x94: {  	_ =	strace s2  }
0x95: {  	s2 =	sld [smem:$0x3FFD];
	_ =	sdelay $0x3  }
0x96: {  	_ =	strace s2  }
0x97: {  	_ =	strace $0x8FFFFFFF  }
0x98: {  	s18 =	sld [smem:$0x3FDB];
	_ =	sdelay $0x1  }
0x99: {  	s19 =	simm.s32 $_scs_section_size  }
0x9a: {  	s4 =	simm.s32 $_size__tile_overlayer_lowered;
	s5 =	simm.s32 $_tile_overlayer_lowered  }
0x9b: {  	s22 =	simm.s32 $0x1BFF;
	s21 =	sshll.u32 s5, $0x1;
	s2 =	sadd.s32 s19, s18  }
0x9c: {  	s6 =	simm.s32 $0x0;
	s20 =	sshll.u32 s4, $0x1;
	s4 =	sadd.s32 s21, s2  }
0x9d: {  	[timem:s6], [sflag:s22] =	dma.local [hbm:s4], s20  }
0x9e: {  	_ =	swait.ge [sflag:s22], s20  }
0x9f: {  	s3 =	ssub.s32 $0x0, s20;
	[sflag:s22] =	ssyncset.done $0x0  }
0xa0: {  	[sflag:s22] =	ssyncadd.s32 s3;
	_ =	sdelay $0x1  }
0xa1: {  	s23 =	simm.s32 $0x1B8B  }
0xa2: {  	_ =	swait.ge [sflag:s23], $0x1  }
0xa3: {  	[sflag:s23] =	ssyncset.done $0x0  }
0xa4: {  	s25 =	simm.s32 $0x1B8E;
	s24 =	sld [smem:$0x3FFE];
	[sflag:s23] =	ssyncadd.s32 $0xFFFFFFFF  }
0xa5: {  	s26 =	simm.s32 $execute0_lowered;
	[smem:$0x3FD2] =	sst s25  }
0xa6: {  	s4 =	sshll.u32 s26, $0x1;
	_ =	strace $0x8000004C;
	[dreg:$0x1] =	wrdreg $0xFFFFFFFF  }
0xa7: {  	s28 =	simm.s32 $_size_execute0_lowered;
	s2 =	sadd.s32 s2, s4;
	[dreg:$0x0] =	wrdreg $0x0  }
0xa8: {  	s4 =	sshll.u32 s28, $0x1;
	[dreg:$0x2] =	wrdreg s2  }
0xa9: {  	[dreg:$0x3] =	wrdreg s4  }
0xaa: {  	[dreg:$0x4] =	wrdreg $0xC0  }
0xab: {  	_ =	task [dreg:s6], $0x5FFFF  }
0xac: {  	[dreg:$0x1] =	wrdreg $0xFFFFFFFF  }
0xad: {  	[dreg:$0x0] =	wrdreg $0x60  }
0xae: {  	[dreg:$0x2] =	wrdreg s24  }
0xaf: {  	[dreg:$0x3] =	wrdreg $0x9  }
0xb0: {  	_ =	task.clear_ibuf [dreg:s6], $0x4FFFF;
	_ =	strace $0x9000004C  }
0xb1: {  	s29 =	simm.s32 $0x9;
	_ =	strace $0x8000004E  }
0xb2: {  	_ =	swait.ge [sflag:s29], $0x1  }
0xb3: {  	[sflag:s29] =	ssyncadd.s32 $0xFFFFFFFF  }
0xb4: {  	_ =	strace $0x9000004E  }
0xb5: {  	_ =	sfence  }
0xb6: {  	s30 =	sld [smem:$0x0];
	_ =	sdelay $0x2  }
0xb7: {  	s31 =	sshll.u32 s1, $0xD;
	s1 =	sshrl.u32 s1, $0x2  }
0xb8: {  	s3 =	sand.u32 $0x4000, s31;
	s1 =	sadd.s32 s1, s30  }
0xb9: {  	s0 =	sor.u32 s3, s0;
	s1 =	sshll.u32 s1, $0x11  }
0xba: {  	s0 =	sor.u32 s1, s0  }
0xbb: {  	s0 =	sadd.s32 $0x8F2B, s0  }
0xbc: {  	[sflag:s0] =	ssyncadd.remote.s32 $0x1  }
0xbd: {  	_ =	sfence.sel $0xFFFF  }
0xbe: {  	[dreg:$0x0] =	wrdreg $0xFFFFFFFF;
	(pc) =	sbr.abs _section_cstart, $3  }
0xbf: {  	[dreg:$0x1] =	wrdreg $0xFFFFFFFF  }
0xc0: {  	_ =	task.clear_ibuf [dreg:s6], $0x2FFFF;
	_ =	strace $0x9FFFFFFF  }
0xc1: {  	(tm) =	ssettm $0x7FFFFFFF  }
tec
execute0_lowered:
.L_overlay_start_1:
0x0: {  	(tag) =	ssettag $0x1  }
0x1: {  	s2 =	rddreg [dreg:$0x0];
	s1 =	simm.s32 $0x0  }
0x2: {  	s3 =	srdreg.scid;
	s0 =	stileid.u32;
	s19 =	simm.s32 $0x2780  }
0x3: {  	s20 =	simm.s32 $0xC580;
	s21 =	simm.s32 $0x4F00;
	s28 =	simm.s32 $0x100  }
0x4: {  	s29 =	simm.s32 $0x0;
	[smem:$0x7FF] =	sst s1;
	s8 =	sadd.s32 $0xC200, s2  }
0x5: {  	s9 =	sand.u32 $0x1, s3;
	s3 =	sadd.s32 $0x2200, s2;
	s4 =	sadd.s32 $0x7200, s2  }
0x6: {  	s13 =	sadd.s32 $0x1FE00, s2;
	s22 =	sshll.u32 s0, $0x2;
	s23 =	sshrl.u32 s0, $0x1  }
0x7: {  	s24 =	sshll.u32 s0, $0x9;
	s15 =	sshllo.u32 s0, $0x2;
	s17 =	smul.u32 $0x13C00, s0  }
0x8: {  	_ =	strace $0x8000004D;
	s5 =	ssub.s32 $0x2, s9;
	s10 =	smul.u32 $0x13C00, s23  }
0x9: {  	s11 =	sor.u32 $0x1, s22;
	s16 =	sshll.u32 s15, $0x7;
	s15 =	smul.u32 $0x4F00, s15  }
0xa: {  	s12 =	sor.u32 $0x2, s22;
	s18 =	sshll.u32 s9, $0x7;
	s9 =	smul.u32 $0x14000, s9  }
0xb: {  	s22 =	simm.s32 $0xED00;
	s23 =	simm.s32 $0x7680;
	s6 =	sshrl.u32 s5, $0x1  }
0xc: {  	s7 =	sshll.u32 s11, $0x7;
	s30 =	sshll.u32 s12, $0x7;
	s11 =	smul.u32 $0x4F00, s11  }
0xd: {  	s16 =	sand.u32 $0x380, s16;
	s31 =	sor.u32 s18, s17;
	s12 =	smul.u32 $0x4F00, s12  }
0xe: {  	s17 =	simm.s32 $0x1;
	s14 =	ssub.s32 s5, s6;
	s6 =	sand.u32 $0x200, s24  }
0xf: {  	s26 =	sand.u32 $0x280, s7;
	s7 =	sand.u32 $0x300, s30;
	s15 =	sor.u32 s18, s15  }
0x10: {  	s24 =	simm.s32 $0x11480;
	s25 =	sor.u32 s6, s10;
	s6 =	sor.u32 s10, s26  }
0x11: {  	s7 =	sor.u32 s10, s7;
	s10 =	sor.u32 s10, s16;
	s16 =	sshrl.u32 s31, $0x3  }
0x12: {  	s11 =	sor.u32 s18, s11;
	s12 =	sor.u32 s18, s12;
	s15 =	sshrl.u32 s15, $0x3  }
0x13: {  	s14 =	smax.u32 s14, $0x1;
	s18 =	simm.s32 $0x9E00;
	s26 =	simm.s32 $0x14C00  }
0x14: {  	s5 =	sshrl.u32 s25, $0x3;
	s6 =	sshrl.u32 s6, $0x3;
	s7 =	sshrl.u32 s7, $0x3  }
.Ltmp0:
0x15: {  	s10 =	sshrl.u32 s10, $0x3;
	s11 =	sshrl.u32 s11, $0x3;
	(pc) =	sbr.rel .LBB2_1-.Ltmp0, $4  }
0x16: {  	s12 =	sshrl.u32 s12, $0x3;
	s25 =	simm.s32 $0x13C00;
	s5 =	sadd.s32 s8, s5  }
0x17: {  	s6 =	sadd.s32 s8, s6;
	s7 =	sadd.s32 s8, s7;
	s8 =	sadd.s32 s8, s10  }
0x18: {  	s10 =	sadd.s32 s13, s16;
	s11 =	sadd.s32 s13, s11;
	s12 =	sadd.s32 s13, s12  }
0x19: {  	v0 =	vimm.s32 $0x0;
	s13 =	sadd.s32 s13, s15;
	s15 =	simm.s32 $0x80;
	s16 =	simm.s32 $0x400  }
.LBB2_11:
0x1a: {  	[hbm4b:s10+s15] =	stream.strided.scatter [tilespmem:s18], [sflag:$0x1], $0x2780, s28, s15, $0x38;
	[tilespmem:$0x15C00] =	vst v63  }
0x1b: {  	_ =	swait.ge [sflag:s17], $0x2780  }
0x1c: {  	[sflag:s17] =	ssyncset.done $0x0  }
0x1d: {  	[sflag:s17] =	ssyncadd.s32 $0xFFFFD880  }
0x1e: {  	[hbm4b:s11+s15] =	stream.strided.scatter [tilespmem:s20], [sflag:$0x1], $0x2780, s28, s15, $0x38;
	[tilespmem:$0x15C00] =	vst v63  }
0x1f: {  	_ =	swait.ge [sflag:s17], $0x2780  }
0x20: {  	[sflag:s17] =	ssyncset.done $0x0  }
0x21: {  	[sflag:s17] =	ssyncadd.s32 $0xFFFFD880  }
0x22: {  	[hbm4b:s12+s15] =	stream.strided.scatter [tilespmem:s22], [sflag:$0x1], $0x2780, s28, s15, $0x38;
	[tilespmem:$0x15C00] =	vst v63  }
0x23: {  	s29 =	sadd.s32 $0x1, s29;
	_ =	swait.ge [sflag:s17], $0x2780  }
0x24: {  	p0 =	sne.s32 s29, s14;
	[sflag:s17] =	ssyncset.done $0x0  }
.Ltmp1:
0x25: {  	[sflag:s17] =	ssyncadd.s32 $0xFFFFD880;
	(pc) =	sbr.rel @!p0 .LBB2_12-.Ltmp1, $4  }
0x26: {  	[hbm4b:s13+s15] =	stream.strided.scatter [tilespmem:s24], [sflag:$0x1], $0x2780, s28, s15, $0x38;
	[tilespmem:$0x15C00] =	vst v63  }
0x27: {  	_ =	swait.ge [sflag:s17], $0x2780  }
0x28: {  	[sflag:s17] =	ssyncset.done $0x0  }
0x29: {  	[sflag:s17] =	ssyncadd.s32 $0xFFFFD880  }
.LBB2_1:
0x2a: {  	[tilespmem:s1], [sflag:$0x1] =	stream.strided.gather [hbm4b:s5+s15], $0x2780, s16, s15, $0x38;
	[tilespmem:$0x15C00] =	vst v63  }
0x2b: {  	_ =	swait.ge [sflag:s17], $0x2780  }
0x2c: {  	[sflag:s17] =	ssyncset.done $0x0  }
0x2d: {  	[sflag:s17] =	ssyncadd.s32 $0xFFFFD880  }
0x2e: {  	[tilespmem:s18], [sflag:$0x1] =	stream.strided.gather [hbm4b:s5+s15], $0x2780, s16, s15, $0x38;
	[tilespmem:$0x15C00] =	vst v63  }
0x2f: {  	_ =	swait.ge [sflag:s17], $0x2780  }
0x30: {  	[sflag:s17] =	ssyncset.done $0x0  }
0x31: {  	[sflag:s17] =	ssyncadd.s32 $0xFFFFD880  }
0x32: {  	[tilespmem:s19], [sflag:$0x1] =	stream.strided.gather [hbm4b:s6+s15], $0x2780, s16, s15, $0x38;
	[tilespmem:$0x15C00] =	vst v63  }
0x33: {  	_ =	swait.ge [sflag:s17], $0x2780  }
0x34: {  	[sflag:s17] =	ssyncset.done $0x0  }
0x35: {  	[sflag:s17] =	ssyncadd.s32 $0xFFFFD880  }
0x36: {  	[tilespmem:s20], [sflag:$0x1] =	stream.strided.gather [hbm4b:s6+s15], $0x2780, s16, s15, $0x38;
	[tilespmem:$0x15C00] =	vst v63  }
0x37: {  	_ =	swait.ge [sflag:s17], $0x2780  }
0x38: {  	[sflag:s17] =	ssyncset.done $0x0  }
0x39: {  	[sflag:s17] =	ssyncadd.s32 $0xFFFFD880  }
0x3a: {  	[tilespmem:s21], [sflag:$0x1] =	stream.strided.gather [hbm4b:s7+s15], $0x2780, s16, s15, $0x38;
	[tilespmem:$0x15C00] =	vst v63  }
0x3b: {  	_ =	swait.ge [sflag:s17], $0x2780  }
0x3c: {  	[sflag:s17] =	ssyncset.done $0x0  }
0x3d: {  	[sflag:s17] =	ssyncadd.s32 $0xFFFFD880  }
0x3e: {  	[tilespmem:s22], [sflag:$0x1] =	stream.strided.gather [hbm4b:s7+s15], $0x2780, s16, s15, $0x38;
	[tilespmem:$0x15C00] =	vst v63  }
0x3f: {  	_ =	swait.ge [sflag:s17], $0x2780  }
0x40: {  	[sflag:s17] =	ssyncset.done $0x0  }
0x41: {  	[sflag:s17] =	ssyncadd.s32 $0xFFFFD880  }
0x42: {  	[tilespmem:s23], [sflag:$0x1] =	stream.strided.gather [hbm4b:s8+s15], $0x2780, s16, s15, $0x38;
	[tilespmem:$0x15C00] =	vst v63  }
0x43: {  	_ =	swait.ge [sflag:s17], $0x2780  }
0x44: {  	[sflag:s17] =	ssyncset.done $0x0  }
.Ltmp2:
0x45: {  	[sflag:s17] =	ssyncadd.s32 $0xFFFFD880;
	(pc) =	sbr.rel .LBB2_2-.Ltmp2, $4  }
0x46: {  	[tilespmem:s24], [sflag:$0x1] =	stream.strided.gather [hbm4b:s8+s15], $0x2780, s16, s15, $0x38;
	[tilespmem:$0x15C00] =	vst v63  }
0x47: {  	_ =	swait.ge [sflag:s17], $0x2780  }
0x48: {  	[sflag:s17] =	ssyncset.done $0x0  }
0x49: {  	s30 =	simm.s32 $0x0;
	[sflag:s17] =	ssyncadd.s32 $0xFFFFD880  }
.LBB2_10:
0x4a: {  	s30 =	sadd.s32 $0x1, s30  }
0x4b: {  	p0 =	sne.s32 s30, $0x14  }
.Ltmp3:
0x4c: {  	_ = 	snop;
	(pc) =	sbr.rel @!p0 .LBB2_11-.Ltmp3, $1  }
0x4d: {  	_ =	sdelay $0x3  }
.LBB2_2:
0x4e: {  	s31 =	sshll.u32 s30, $0xC  }
0x4f: {  	s31 =	sadd.s32 s9, s31  }
0x50: {  	s0 =	sshrl.u32 s31, $0x3  }
0x51: {  	s31 =	simm.s32 $0x0;
	s2 =	sadd.s32 s3, s0  }
0x52: {  	[tilespmem:s25], [sflag:$0x1] =	stream.linear.gather [hbm4b:s2+s31], $0x1000, $0x38;
	[tilespmem:$0x15C00] =	vst v63  }
0x53: {  	_ =	swait.ge [sflag:s17], $0x1000  }
0x54: {  	[sflag:s17] =	ssyncset.done $0x0  }
.Ltmp4:
0x55: {  	s0 =	sadd.s32 s4, s0;
	[sflag:s17] =	ssyncadd.s32 $0xFFFFF000;
	(pc) =	sbr.rel .LBB2_3-.Ltmp4, $4  }
0x56: {  	[tilespmem:s26], [sflag:$0x1] =	stream.linear.gather [hbm4b:s0+s31], $0x1000, $0x38;
	[tilespmem:$0x15C00] =	vst v63  }
0x57: {  	_ =	swait.ge [sflag:s17], $0x1000  }
0x58: {  	[sflag:s17] =	ssyncset.done $0x0  }
0x59: {  	[sflag:s17] =	ssyncadd.s32 $0xFFFFF000  }
.LBB2_9:
0x5a: {  	s31 =	sadd.s32 $0x1, s31  }
0x5b: {  	p0 =	sne.s32 s31, $0x100  }
.Ltmp5:
0x5c: {  	_ = 	snop;
	(pc) =	sbr.rel @!p0 .LBB2_10-.Ltmp5, $1  }
0x5d: {  	_ =	sdelay $0x3  }
.LBB2_3:
0x5e: {  	s0 =	sshll.u32 s31, $0x4  }
0x5f: {  	v2 =	vld [tilespmem:s0+$0x13C00]  }
0x60: {  	v1 =	vld [tilespmem:s0+$0x14C00];
	_ =	sdelay $0x6  }
0x61: {  	v3 =	vld.idx.msk [tilespmem:v2+s1+$0x0], $0xffff  }
0x62: {  	v4 =	vld.idx.msk [tilespmem:v1+s18+$0x0], $0xffff;
	_ =	sdelay $0x4  }
0x63: {  	v7 =	vmax.f32 v4, v3  }
0x64: {  	[tilespmem:v1+s18+$0x0] =	vst.idx.msk $0xffff, v7  }
0x65: {  	v3 =	vld.idx.msk [tilespmem:v2+s19+$0x0], $0xffff  }
0x66: {  	v4 =	vld.idx.msk [tilespmem:v1+s20+$0x0], $0xffff;
	_ =	sdelay $0x4  }
0x67: {  	v5 =	vmax.f32 v4, v3  }
0x68: {  	[tilespmem:v1+s20+$0x0] =	vst.idx.msk $0xffff, v5  }
0x69: {  	v3 =	vld.idx.msk [tilespmem:v2+s21+$0x0], $0xffff  }
0x6a: {  	v4 =	vld.idx.msk [tilespmem:v1+s22+$0x0], $0xffff;
	_ =	sdelay $0x4  }
0x6b: {  	v3 =	vmax.f32 v4, v3  }
0x6c: {  	[tilespmem:v1+s22+$0x0] =	vst.idx.msk $0xffff, v3  }
0x6d: {  	v2 =	vld.idx.msk [tilespmem:v2+s23+$0x0], $0xffff  }
0x6e: {  	v4 =	vld.idx.msk [tilespmem:v1+s24+$0x0], $0xffff;
	_ =	sdelay $0x4  }
0x6f: {  	v2 =	vmax.f32 v4, v2  }
0x70: {  	[tilespmem:v1+s24+$0x0] =	vst.idx.msk $0xffff, v2  }
0x71: {  	v9 =	vld.idx.msk [tilespmem:v1+s18+$0x0], $0xffff  }
0x72: {  	v8 =	vld.idx.msk [tilespmem:v1+s20+$0x0], $0xffff  }
0x73: {  	v6 =	vld.idx.msk [tilespmem:v1+s22+$0x0], $0xffff  }
0x74: {  	v4 =	vld.idx.msk [tilespmem:v1+s24+$0x0], $0xffff;
	_ =	sdelay $0x2  }
0x75: {  	vm3 =	vlt.f32 v9, v7;
	vm2 =	vlt.f32 v8, v5  }
0x76: {  	vm1 =	vlt.f32 v6, v3;
	vm0 =	vmor vm3, vm2  }
0x77: {  	vm4 =	vmor vm0, vm1;
	vm0 =	vlt.f32 v4, v2  }
0x78: {  	vm4 =	vmor vm4, vm0  }
0x79: {  	v10 =	vmpcnt.ones.xlane vm4;
	_ =	sdelay $0x1  }
0x7a: {  	(v2sf) =	vpush v10, $0x0;
	_ =	sdelay $0xe  }
0x7b: {  	s2 =	spop (v2sf)  }
0x7c: {  	p0 =	slt.s32 s2, $0x1  }
.Ltmp6:
0x7d: {  	_ = 	snop;
	(pc) =	sbr.rel @p0 .LBB2_9-.Ltmp6, $1  }
0x7e: {  	_ =	sdelay $0x3  }
0x7f: {  	vm4 =	vlt.f32 v9, v7  }
0x80: {  	v9 =	vsel vm4, $0x1, v0  }
0x81: {  	v9 =	vor.u32 $0x80000000, v9  }
0x82: {  	(xrf0) =	vmax.scan.msk.u32 $0xffff, v9;
	_ =	sdelay $0x5  }
0x83: {  	v9, _, _ =	vpop (xrf0)  }
0x84: {  	(v2sf) =	vpush v9, $0xF;
	_ =	sdelay $0xe  }
0x85: {  	s0 =	spop (v2sf)  }
0x86: {  	p0 =	sgt.u32 s0, $0x80000000  }
.Ltmp7:
0x87: {  	_ = 	snop;
	(pc) =	sbr.rel @!p0 .LBB2_5-.Ltmp7, $1  }
0x88: {  	_ =	sdelay $0x3  }
.LBB2_13:
0x89: {  	[tilespmem:v1+s18+$0x0] =	vst.idx.msk vm3, v7  }
0x8a: {  	v9 =	vld.idx.msk [tilespmem:v1+s18+$0x0], $0xffff;
	_ =	sdelay $0x4  }
0x8b: {  	vm4 =	vlt.f32 v9, v7  }
0x8c: {  	vm3 =	vmand vm3, vm4  }
0x8d: {  	v9 =	vsel vm3, $0x1, v0  }
0x8e: {  	v9 =	vor.u32 $0x80000000, v9  }
0x8f: {  	(xrf0) =	vmax.scan.msk.u32 $0xffff, v9;
	_ =	sdelay $0x5  }
0x90: {  	v9, _, _ =	vpop (xrf0)  }
0x91: {  	(v2sf) =	vpush v9, $0xF;
	_ =	sdelay $0xe  }
0x92: {  	s0 =	spop (v2sf)  }
0x93: {  	p0 =	sgt.u32 s0, $0x80000000  }
.Ltmp8:
0x94: {  	_ = 	snop;
	(pc) =	sbr.rel @p0 .LBB2_13-.Ltmp8, $1  }
0x95: {  	_ =	sdelay $0x3  }
.LBB2_5:
0x96: {  	vm3 =	vlt.f32 v8, v5  }
0x97: {  	v7 =	vsel vm3, $0x1, v0  }
0x98: {  	v7 =	vor.u32 $0x80000000, v7  }
0x99: {  	(xrf0) =	vmax.scan.msk.u32 $0xffff, v7;
	_ =	sdelay $0x5  }
0x9a: {  	v7, _, _ =	vpop (xrf0)  }
0x9b: {  	(v2sf) =	vpush v7, $0xF;
	_ =	sdelay $0xe  }
0x9c: {  	s0 =	spop (v2sf)  }
0x9d: {  	p0 =	sgt.u32 s0, $0x80000000  }
.Ltmp9:
0x9e: {  	_ = 	snop;
	(pc) =	sbr.rel @!p0 .LBB2_6-.Ltmp9, $1  }
0x9f: {  	_ =	sdelay $0x3  }
.LBB2_14:
0xa0: {  	[tilespmem:v1+s20+$0x0] =	vst.idx.msk vm2, v5  }
0xa1: {  	v7 =	vld.idx.msk [tilespmem:v1+s20+$0x0], $0xffff;
	_ =	sdelay $0x4  }
0xa2: {  	vm3 =	vlt.f32 v7, v5  }
0xa3: {  	vm2 =	vmand vm2, vm3  }
0xa4: {  	v7 =	vsel vm2, $0x1, v0  }
0xa5: {  	v7 =	vor.u32 $0x80000000, v7  }
0xa6: {  	(xrf0) =	vmax.scan.msk.u32 $0xffff, v7;
	_ =	sdelay $0x5  }
0xa7: {  	v7, _, _ =	vpop (xrf0)  }
0xa8: {  	(v2sf) =	vpush v7, $0xF;
	_ =	sdelay $0xe  }
0xa9: {  	s0 =	spop (v2sf)  }
0xaa: {  	p0 =	sgt.u32 s0, $0x80000000  }
.Ltmp10:
0xab: {  	_ = 	snop;
	(pc) =	sbr.rel @p0 .LBB2_14-.Ltmp10, $1  }
0xac: {  	_ =	sdelay $0x3  }
.LBB2_6:
0xad: {  	vm2 =	vlt.f32 v6, v3  }
0xae: {  	v5 =	vsel vm2, $0x1, v0  }
0xaf: {  	v5 =	vor.u32 $0x80000000, v5  }
0xb0: {  	(xrf0) =	vmax.scan.msk.u32 $0xffff, v5;
	_ =	sdelay $0x5  }
0xb1: {  	v5, _, _ =	vpop (xrf0)  }
0xb2: {  	(v2sf) =	vpush v5, $0xF;
	_ =	sdelay $0xe  }
0xb3: {  	s0 =	spop (v2sf)  }
0xb4: {  	p0 =	sgt.u32 s0, $0x80000000  }
.Ltmp11:
0xb5: {  	_ = 	snop;
	(pc) =	sbr.rel @!p0 .LBB2_7-.Ltmp11, $1  }
0xb6: {  	_ =	sdelay $0x3  }
.LBB2_15:
0xb7: {  	[tilespmem:v1+s22+$0x0] =	vst.idx.msk vm1, v3  }
0xb8: {  	v5 =	vld.idx.msk [tilespmem:v1+s22+$0x0], $0xffff;
	_ =	sdelay $0x4  }
0xb9: {  	vm2 =	vlt.f32 v5, v3  }
0xba: {  	vm1 =	vmand vm1, vm2  }
0xbb: {  	v5 =	vsel vm1, $0x1, v0  }
0xbc: {  	v5 =	vor.u32 $0x80000000, v5  }
0xbd: {  	(xrf0) =	vmax.scan.msk.u32 $0xffff, v5;
	_ =	sdelay $0x5  }
0xbe: {  	v5, _, _ =	vpop (xrf0)  }
0xbf: {  	(v2sf) =	vpush v5, $0xF;
	_ =	sdelay $0xe  }
0xc0: {  	s0 =	spop (v2sf)  }
0xc1: {  	p0 =	sgt.u32 s0, $0x80000000  }
.Ltmp12:
0xc2: {  	_ = 	snop;
	(pc) =	sbr.rel @p0 .LBB2_15-.Ltmp12, $1  }
0xc3: {  	_ =	sdelay $0x3  }
.LBB2_7:
0xc4: {  	vm1 =	vlt.f32 v4, v2  }
0xc5: {  	v3 =	vsel vm1, $0x1, v0  }
0xc6: {  	v3 =	vor.u32 $0x80000000, v3  }
0xc7: {  	(xrf0) =	vmax.scan.msk.u32 $0xffff, v3;
	_ =	sdelay $0x5  }
0xc8: {  	v3, _, _ =	vpop (xrf0)  }
0xc9: {  	(v2sf) =	vpush v3, $0xF;
	_ =	sdelay $0xe  }
0xca: {  	s0 =	spop (v2sf)  }
0xcb: {  	p0 =	sgt.u32 s0, $0x80000000  }
.Ltmp13:
0xcc: {  	_ = 	snop;
	(pc) =	sbr.rel @!p0 .LBB2_9-.Ltmp13, $1  }
0xcd: {  	_ =	sdelay $0x3  }
.LBB2_8:
0xce: {  	[tilespmem:v1+s24+$0x0] =	vst.idx.msk vm0, v2  }
0xcf: {  	v3 =	vld.idx.msk [tilespmem:v1+s24+$0x0], $0xffff;
	_ =	sdelay $0x4  }
0xd0: {  	vm1 =	vlt.f32 v3, v2  }
0xd1: {  	vm0 =	vmand vm0, vm1  }
0xd2: {  	v3 =	vsel vm0, $0x1, v0  }
0xd3: {  	v3 =	vor.u32 $0x80000000, v3  }
0xd4: {  	(xrf0) =	vmax.scan.msk.u32 $0xffff, v3;
	_ =	sdelay $0x5  }
0xd5: {  	v3, _, _ =	vpop (xrf0)  }
0xd6: {  	(v2sf) =	vpush v3, $0xF;
	_ =	sdelay $0xe  }
0xd7: {  	s0 =	spop (v2sf)  }
0xd8: {  	p0 =	sgt.u32 s0, $0x80000000  }
.Ltmp14:
0xd9: {  	_ = 	snop;
	(pc) =	sbr.rel @p0 .LBB2_8-.Ltmp14, $1  }
0xda: {  	_ =	sdelay $0x3  }
.Ltmp15:
0xdb: {  	_ = 	snop;
	(pc) =	sbr.rel .LBB2_9-.Ltmp15, $1  }
0xdc: {  	_ =	sdelay $0x3  }
.LBB2_12:
0xdd: {  	_ =	sfence.sel $0x180000  }
0xde: {  	[bflag:$0x0] =	sbarrier.arrive $0xFFFF  }
0xdf: {  	_ =	strace $0x9000004D  }
0xe0: {  	s0 =	stileid.u32;
	[bflag:$0x2] =	sbarrier.arrive $0xFFFF  }
0xe1: {  	p0 =	sne.s32 s0, $0x0;
	s0 =	rddreg [dreg:$0x1]  }
0xe2: {  	s0 =	sadd.s32 @!p0 $0x100000, s0  }
0xe3: {  	[sflag:s0] =	ssyncadd.tile.s32 @!p0 $0x1;
	_ =	shalt  }
.Lfunc_end2:
_tile_overlayer_lowered:
.L_overlay_start_2:
0xe4: {  	(tag) =	ssettag $0x2  }
0xe5: {  	s0 =	rddreg [dreg:$0x0];
	s2 =	stileid.u32  }
0xe6: {  	s1 =	rddreg [dreg:$0x1];
	p0 =	sne.s32 s2, $0x0  }
0xe7: {  	s3 =	rddreg [dreg:$0x2];
	[bflag:$0x3] =	sbarrier.arrive $0xFFFF;
	s2 =	simm.s32 @!p0 $0x1C01  }
0xe8: {  	[timem:s3], [sflag:s2] =	dma.local @!p0 [hbm:s0], s1  }
0xe9: {  	s0 =	simm.s32 @!p0 $0x1  }
0xea: {  	_ =	swait.ge @!p0 [sflag:s0], s1  }
0xeb: {  	s1 =	ssub.s32 @!p0 $0x0, s1;
	[sflag:s0] =	ssyncset.done @!p0 $0x0  }
0xec: {  	[sflag:s0] =	ssyncadd.s32 @!p0 s1  }
0xed: {  	[bflag:$0x3] =	sbarrier.arrive $0xFFFF  }
0xee: {  	_ =	shalt  }

// kernel: kernel.9.cloned.1.call-start
scs
__scs_entry_jumppad:
0x0: {  	(pc) =	sbr.rel $0x88, $3  }
0x1: {  	(tag) =	ssettag $0x0;
	lr =	simm.s32 $0x1  }
0x2: {  	[smem:$0x3F96] =	sst lr;
	_ =	strace $0xD0000000  }
0x3: {  	_ = 	snop  }
0x4: {  	_ = 	snop  }
0x5: {  	_ = 	snop  }
0x6: {  	_ = 	snop  }
0x7: {  	_ = 	snop  }
__scs_overlays_trampoline_lowered:
0x8: {  	[smem:$0x3FA5] =	sst s0  }
0x9: {  	[smem:$0x3FA6] =	sst s1  }
0xa: {  	[smem:$0x3FA7] =	sst s2  }
0xb: {  	[smem:$0x3FA8] =	sst s3  }
0xc: {  	[smem:$0x3FA9] =	sst s4  }
0xd: {  	[smem:$0x3FAA] =	sst s5  }
0xe: {  	[smem:$0x3FAB] =	sst s6  }
0xf: {  	[smem:$0x3FAC] =	sst s7  }
0x10: {  	[smem:$0x3FAD] =	sst s8  }
0x11: {  	[smem:$0x3FAE] =	sst s9;
	s0 =	simm.s32 @!p0 $0x0  }
0x12: {  	s1 =	sld [smem:$0x3F94];
	s0 =	simm.s32 @p0 $0x1  }
0x13: {  	[smem:$0x3FAF] =	sst s0;
	s0 =	simm.s32 @!p1 $0x0  }
0x14: {  	s2 =	sld [smem:$0x3F93];
	s0 =	simm.s32 @p1 $0x1  }
0x15: {  	[smem:$0x3FB0] =	sst s0;
	s0 =	simm.s32 @!p2 $0x0  }
0x16: {  	s3 =	sld [smem:$0x3FDB];
	s0 =	simm.s32 @p2 $0x1  }
0x17: {  	s4 =	simm.s32 $0x1BF5;
	[smem:$0x3FB2] =	sst s0  }
0x18: {  	s0 =	sld [smem:$0x3F95];
	_ =	swait.ge [sflag:s4], $0x0  }
0x19: {  	s7 =	sld [smem:$0x3F96]  }
0x1a: {  	s8 =	sadd.s32 $0xFFFFE003, lr  }
0x1b: {  	s9 =	sadd.s32 $0xFFFFFEF7, lr;
	s5 =	simm.s32 $0xFFFFFFFF;
	p2 =	slt.u32 s8, $0xFFFFF086  }
0x1c: {  	p1 =	slt.u32 s9, $0xF7A;
	s5 =	simm.s32 @!p2 $0x0  }
0x1d: {  	s5 =	simm.s32 @p1 $0x1;
	p0 =	seq.s32 s7, s2  }
0x1e: {  	s7 =	smul.u32 @!p0 $0xF7A, s2;
	p2 =	seq.s32 @!p0 s5, $0x0  }
0x1f: {  	s9 =	smul.u32 $0xF7A, s1;
	s8 =	simm.s32 @!p0 $0x1BF5;
	p2 =	por !p2, p0  }
0x20: {  	[sflag:s8] =	ssyncset.s32 @!p0 $0xFFFFF086;
	s6 =	sadd.s32 @!p0 s3, s7;
	s7 =	simm.s32 @!p0 $0x108  }
0x21: {  	s3 =	sadd.s32 s3, s9;
	s6 =	sadd.s32 @!p0 $0x88, s6;
	s7 =	simm.s32 @p2 $0x1082  }
0x22: {  	[simem:s7], [sflag:s8] =	dma.local @!p0 [hbm:s6], $0xF7A  }
0x23: {  	s9 =	sor.u32 $0xD0000000, s2;
	s6 =	simm.s32 $0x108;
	_ =	swait.ge @!p0 [sflag:s8], $0x0  }
0x24: {  	s3 =	sadd.s32 $0x88, s3;
	s6 =	simm.s32 @!p1 $0x1082;
	[sflag:s4] =	ssyncset.s32 $0xFFFFF086  }
0x25: {  	[simem:s6], [sflag:s4] =	dma.local [hbm:s3], $0xF7A  }
0x26: {  	[smem:$0x3F96] =	sst s1;
	(tag) =	ssettag s2;
	_ =	strace s9  }
0x27: {  	s1 =	sld [smem:$0x3FA6]  }
0x28: {  	s2 =	sld [smem:$0x3FA7]  }
0x29: {  	s4 =	sld [smem:$0x3FA9]  }
0x2a: {  	p0 =	seq.s32 s5, $0x0;
	s5 =	sld [smem:$0x3FAA]  }
0x2b: {  	s6 =	sld [smem:$0x3FAB]  }
0x2c: {  	s7 =	sld [smem:$0x3FAC]  }
0x2d: {  	s3 =	simm.s32 $0x108;
	s8 =	sld [smem:$0x3FAD]  }
0x2e: {  	s3 =	simm.s32 @!p0 $0x1082;
	s9 =	sld [smem:$0x3FAE]  }
0x2f: {  	lr =	sadd.s32 s0, s3;
	s0 =	sld [smem:$0x3FA5]  }
0x30: {  	s3 =	sld [smem:$0x3FA8]  }
0x31: {  	[smem:$0x3FB1] =	sst s10  }
0x32: {  	s10 =	sld [smem:$0x3FAF];
	_ =	sdelay $0x3  }
0x33: {  	p0 =	seq.s32 s10, $0x1;
	s10 =	sld [smem:$0x3FB1];
	_ =	sdelay $0x3  }
0x34: {  	[smem:$0x3FB1] =	sst s10  }
0x35: {  	s10 =	sld [smem:$0x3FB0];
	_ =	sdelay $0x3  }
0x36: {  	p1 =	seq.s32 s10, $0x1;
	s10 =	sld [smem:$0x3FB1];
	_ =	sdelay $0x3  }
0x37: {  	[smem:$0x3FB1] =	sst s10  }
0x38: {  	s10 =	sld [smem:$0x3FB2]  }
0x39: {  	_ = 	snop;
	(pc) =	sbr.ind lr, $3  }
0x3a: {  	_ = 	snop  }
0x3b: {  	_ = 	snop  }
0x3c: {  	p2 =	seq.s32 s10, $0x1;
	s10 =	sld [smem:$0x3FB1]  }
0x3d: {  	_ =	shalt  }
0x3e: {  	_ =	shalt  }
0x3f: {  	_ =	shalt  }
0x40: {  	_ =	shalt  }
0x41: {  	_ =	shalt  }
0x42: {  	_ =	shalt  }
0x43: {  	_ =	shalt  }
0x44: {  	_ =	shalt  }
0x45: {  	_ =	shalt  }
0x46: {  	_ =	shalt  }
0x47: {  	_ =	shalt  }
0x48: {  	_ =	shalt  }
0x49: {  	_ =	shalt  }
0x4a: {  	_ =	shalt  }
0x4b: {  	_ =	shalt  }
0x4c: {  	_ =	shalt  }
0x4d: {  	_ =	shalt  }
0x4e: {  	_ =	shalt  }
0x4f: {  	_ =	shalt  }
0x50: {  	_ =	shalt  }
0x51: {  	_ =	shalt  }
0x52: {  	_ =	shalt  }
0x53: {  	_ =	shalt  }
0x54: {  	_ =	shalt  }
0x55: {  	_ =	shalt  }
0x56: {  	_ =	shalt  }
0x57: {  	_ =	shalt  }
0x58: {  	_ =	shalt  }
0x59: {  	_ =	shalt  }
0x5a: {  	_ =	shalt  }
0x5b: {  	_ =	shalt  }
0x5c: {  	_ =	shalt  }
0x5d: {  	_ =	shalt  }
0x5e: {  	_ =	shalt  }
0x5f: {  	_ =	shalt  }
0x60: {  	_ =	shalt  }
0x61: {  	_ =	shalt  }
0x62: {  	_ =	shalt  }
0x63: {  	_ =	shalt  }
0x64: {  	_ =	shalt  }
0x65: {  	_ =	shalt  }
0x66: {  	_ =	shalt  }
0x67: {  	_ =	shalt  }
0x68: {  	_ =	shalt  }
0x69: {  	_ =	shalt  }
0x6a: {  	_ =	shalt  }
0x6b: {  	_ =	shalt  }
0x6c: {  	_ =	shalt  }
0x6d: {  	_ =	shalt  }
0x6e: {  	_ =	shalt  }
0x6f: {  	_ =	shalt  }
0x70: {  	_ =	shalt  }
0x71: {  	_ =	shalt  }
0x72: {  	_ =	shalt  }
0x73: {  	_ =	shalt  }
0x74: {  	_ =	shalt  }
0x75: {  	_ =	shalt  }
0x76: {  	_ =	shalt  }
0x77: {  	_ =	shalt  }
0x78: {  	_ =	shalt  }
0x79: {  	_ =	shalt  }
0x7a: {  	_ =	shalt  }
0x7b: {  	_ =	shalt  }
0x7c: {  	_ =	shalt  }
0x7d: {  	_ =	shalt  }
0x7e: {  	_ =	shalt  }
0x7f: {  	_ =	shalt  }
0x80: {  	_ =	shalt  }
0x81: {  	_ =	shalt  }
0x82: {  	_ =	shalt  }
0x83: {  	_ =	shalt  }
0x84: {  	_ =	shalt  }
0x85: {  	_ =	shalt  }
0x86: {  	_ =	shalt  }
0x87: {  	_ =	shalt  }
.Lfunc_end0:
.L_simem_size_0:
called_computation_lowered:
.L_overlay_start_0:
0x88: {  	s2 =	sld [smem:$0x3FD9]  }
0x89: {  	s3 =	sld [smem:$0x3FFE];
	_ =	sdelay $0x1  }
0x8a: {  	s1 =	srdreg.scid  }
0x8b: {  	s0 =	sand.u32 $0x1, s1  }
0x8c: {  	s16 =	sshll.u32 s0, $0xA;
	s2 =	sadd.s32 s3, s2  }
0x8d: {  	s2 =	sadd.s32 s2, s16  }
0x8e: {  	[smem:$0x3FBD] =	sst s2  }
0x8f: {  	_ = 	snop  }
0x90: {  	(tm) =	ssettm $0x1  }
0x91: {  	s17 =	sld [smem:$0x3FFB];
	_ =	sdelay $0x3  }
0x92: {  	_ =	strace s17  }
0x93: {  	s2 =	sld [smem:$0x3FFC];
	_ =	sdelay $0x3  }
0x94: {  	_ =	strace s2  }
0x95: {  	s2 =	sld [smem:$0x3FFD];
	_ =	sdelay $0x3  }
0x96: {  	_ =	strace s2  }
0x97: {  	_ =	strace $0x8FFFFFFF  }
0x98: {  	s18 =	sld [smem:$0x3FDB];
	_ =	sdelay $0x1  }
0x99: {  	s19 =	simm.s32 $_scs_section_size  }
0x9a: {  	s4 =	simm.s32 $_size__tile_overlayer_lowered;
	s5 =	simm.s32 $_tile_overlayer_lowered  }
0x9b: {  	s22 =	simm.s32 $0x1BFF;
	s21 =	sshll.u32 s5, $0x1;
	s2 =	sadd.s32 s19, s18  }
0x9c: {  	s6 =	simm.s32 $0x0;
	s20 =	sshll.u32 s4, $0x1;
	s4 =	sadd.s32 s21, s2  }
0x9d: {  	[timem:s6], [sflag:s22] =	dma.local [hbm:s4], s20  }
0x9e: {  	_ =	swait.ge [sflag:s22], s20  }
0x9f: {  	s3 =	ssub.s32 $0x0, s20;
	[sflag:s22] =	ssyncset.done $0x0  }
0xa0: {  	[sflag:s22] =	ssyncadd.s32 s3;
	_ =	sdelay $0x1  }
0xa1: {  	s23 =	simm.s32 $0x1B8B  }
0xa2: {  	_ =	swait.ge [sflag:s23], $0x1  }
0xa3: {  	[sflag:s23] =	ssyncset.done $0x0  }
0xa4: {  	s25 =	simm.s32 $0x1B8E;
	s24 =	sld [smem:$0x3FFE];
	[sflag:s23] =	ssyncadd.s32 $0xFFFFFFFF  }
0xa5: {  	s26 =	simm.s32 $execute0_lowered;
	[smem:$0x3FD2] =	sst s25  }
0xa6: {  	s4 =	sshll.u32 s26, $0x1;
	_ =	strace $0x80000046;
	[dreg:$0x1] =	wrdreg $0xFFFFFFFF  }
0xa7: {  	s28 =	simm.s32 $_size_execute0_lowered;
	s2 =	sadd.s32 s2, s4;
	[dreg:$0x0] =	wrdreg $0x0  }
0xa8: {  	s4 =	sshll.u32 s28, $0x1;
	[dreg:$0x2] =	wrdreg s2  }
0xa9: {  	[dreg:$0x3] =	wrdreg s4  }
0xaa: {  	[dreg:$0x4] =	wrdreg $0xC0  }
0xab: {  	_ =	task [dreg:s6], $0x5FFFF  }
0xac: {  	[dreg:$0x1] =	wrdreg $0xFFFFFFFF  }
0xad: {  	[dreg:$0x0] =	wrdreg $0x60  }
0xae: {  	[dreg:$0x2] =	wrdreg s24  }
0xaf: {  	[dreg:$0x3] =	wrdreg $0x9  }
0xb0: {  	_ =	task.clear_ibuf [dreg:s6], $0x4FFFF;
	_ =	strace $0x90000046  }
0xb1: {  	s29 =	simm.s32 $0x9;
	_ =	strace $0x80000048  }
0xb2: {  	_ =	swait.ge [sflag:s29], $0x1  }
0xb3: {  	[sflag:s29] =	ssyncadd.s32 $0xFFFFFFFF  }
0xb4: {  	_ =	strace $0x90000048  }
0xb5: {  	_ =	sfence  }
0xb6: {  	s30 =	sld [smem:$0x0];
	_ =	sdelay $0x2  }
0xb7: {  	s31 =	sshll.u32 s1, $0xD;
	s1 =	sshrl.u32 s1, $0x2  }
0xb8: {  	s3 =	sand.u32 $0x4000, s31;
	s1 =	sadd.s32 s1, s30  }
0xb9: {  	s0 =	sor.u32 s3, s0;
	s1 =	sshll.u32 s1, $0x11  }
0xba: {  	s0 =	sor.u32 s1, s0  }
0xbb: {  	s0 =	sadd.s32 $0x8F2B, s0  }
0xbc: {  	[sflag:s0] =	ssyncadd.remote.s32 $0x1  }
0xbd: {  	_ =	sfence.sel $0xFFFF  }
0xbe: {  	[dreg:$0x0] =	wrdreg $0xFFFFFFFF;
	(pc) =	sbr.abs _section_cstart, $3  }
0xbf: {  	[dreg:$0x1] =	wrdreg $0xFFFFFFFF  }
0xc0: {  	_ =	task.clear_ibuf [dreg:s6], $0x2FFFF;
	_ =	strace $0x9FFFFFFF  }
0xc1: {  	(tm) =	ssettm $0x7FFFFFFF  }
tec
execute0_lowered:
.L_overlay_start_1:
0x0: {  	(tag) =	ssettag $0x1  }
0x1: {  	s1 =	srdreg.scid  }
0x2: {  	s0 =	stileid.u32;
	s4 =	rddreg [dreg:$0x0];
	s8 =	simm.s32 $0x2780  }
0x3: {  	s9 =	simm.s32 $0x80;
	s10 =	simm.s32 $0x400;
	s11 =	simm.s32 $0x0  }
0x4: {  	s3 =	sand.u32 $0x1, s1;
	s2 =	sshll.u32 s0, $0x1;
	s1 =	rddreg [dreg:$0x1]  }
0x5: {  	s6 =	sshrl.u32 s0, $0x2;
	s5 =	sor.u32 s3, s2;
	s2 =	simm.s32 $0x0  }
0x6: {  	s6 =	smul.u32 $0x13C00, s6;
	s30 =	ssub.s32 $0x2, s3;
	s7 =	sshll.u32 s5, $0x7  }
0x7: {  	s3 =	sadd.s32 $0xC200, s4;
	s5 =	smul.u32 $0x280, s5;
	s7 =	sand.u32 $0x380, s7  }
0x8: {  	[smem:$0x7FF] =	sst s2;
	s31 =	sshrl.u32 s30, $0x1;
	s6 =	sor.u32 s6, s7  }
0x9: {  	_ =	strace $0x80000047;
	s5 =	sadd.s32 s5, s4;
	s6 =	sshrl.u32 s6, $0x3  }
0xa: {  	s7 =	ssub.s32 s30, s31;
	s6 =	sadd.s32 s6, s4;
	s4 =	sadd.s32 $0x7200, s5  }
0xb: {  	v0 =	vimm.s32 $0x1;
	s5 =	sadd.s32 $0xC800, s6;
	s6 =	smax.u32 s7, $0x1;
	s7 =	simm.s32 $0x1  }
.LBB2_1:
0xc: {  	[tilespmem:s2], [sflag:$0x1] =	stream.linear.gather [hbm4b:s3+s2], $0x2780, $0x38;
	[tilespmem:$0x3B80] =	vst v63  }
0xd: {  	_ =	swait.ge [sflag:s7], $0x2780  }
0xe: {  	[sflag:s7] =	ssyncset.done $0x0  }
0xf: {  	[sflag:s7] =	ssyncadd.s32 $0xFFFFD880  }
0x10: {  	[tilespmem:s8], [sflag:$0x1] =	stream.linear.gather [hbm4b:s4+s2], $0x1400, $0x38;
	[tilespmem:$0x3B80] =	vst v63  }
0x11: {  	_ =	swait.ge [sflag:s7], $0x1400  }
0x12: {  	[sflag:s7] =	ssyncset.done $0x0  }
0x13: {  	s13 =	simm.s32 $0x0;
	s12 =	simm.s32 $0x40;
	[sflag:s7] =	ssyncadd.s32 $0xFFFFEC00  }
.LBB2_2:
0x14: {  	p0 =	sne.s32 s12, $0x4FC0;
	v1 =	vld [tilespmem:s13+$0x2780];
	_ =	sdelay $0x3  }
.Ltmp0:
0x15: {  	(pc) =	sbr.rel @p0 .LBB2_2-.Ltmp0, $2  }
0x16: {  	_ =	sdelay $0x2  }
0x17: {  	s13 =	sshra.s32 s12, $0x2;
	s12 =	sadd.s32 $0x40, s12;
	[tilespmem:v1+s2+$0x0] =	vst.idx.add.s32.msk $0xffff, v0  }
0x18: {  	v1 =	vld [tilespmem:s13+$0x2780];
	_ =	sdelay $0x5  }
0x19: {  	s11 =	sadd.s32 $0x1, s11  }
0x1a: {  	p0 =	sne.s32 s11, s6  }
.Ltmp1:
0x1b: {  	[tilespmem:v1+s2+$0x0] =	vst.idx.add.s32.msk $0xffff, v0;
	(pc) =	sbr.rel @p0 .LBB2_1-.Ltmp1, $4  }
0x1c: {  	[hbm4b:s5+s9] =	stream.strided.scatter [tilespmem:s2], [sflag:$0x1], $0x2780, s10, s9, $0x38;
	[tilespmem:$0x3B80] =	vst v63  }
0x1d: {  	_ =	swait.ge [sflag:s7], $0x2780  }
0x1e: {  	[sflag:s7] =	ssyncset.done $0x0  }
0x1f: {  	[sflag:s7] =	ssyncadd.s32 $0xFFFFD880  }
0x20: {  	_ =	sfence.sel $0x180000  }
0x21: {  	[bflag:$0x0] =	sbarrier.arrive $0xFFFF  }
0x22: {  	p0 =	sne.s32 s0, $0x0;
	_ =	strace $0x90000047  }
0x23: {  	s0 =	sadd.s32 @!p0 $0x100000, s1;
	[bflag:$0x2] =	sbarrier.arrive $0xFFFF  }
0x24: {  	[sflag:s0] =	ssyncadd.tile.s32 @!p0 $0x1;
	_ =	shalt  }
.Lfunc_end2:
_tile_overlayer_lowered:
.L_overlay_start_2:
0x25: {  	(tag) =	ssettag $0x2  }
0x26: {  	s0 =	rddreg [dreg:$0x0];
	s2 =	stileid.u32  }
0x27: {  	s1 =	rddreg [dreg:$0x1];
	p0 =	sne.s32 s2, $0x0  }
0x28: {  	s3 =	rddreg [dreg:$0x2];
	[bflag:$0x3] =	sbarrier.arrive $0xFFFF;
	s2 =	simm.s32 @!p0 $0x1C01  }
0x29: {  	[timem:s3], [sflag:s2] =	dma.local @!p0 [hbm:s0], s1  }
0x2a: {  	s0 =	simm.s32 @!p0 $0x1  }
0x2b: {  	_ =	swait.ge @!p0 [sflag:s0], s1  }
0x2c: {  	s1 =	ssub.s32 @!p0 $0x0, s1;
	[sflag:s0] =	ssyncset.done @!p0 $0x0  }
0x2d: {  	[sflag:s0] =	ssyncadd.s32 @!p0 s1  }
0x2e: {  	[bflag:$0x3] =	sbarrier.arrive $0xFFFF  }
0x2f: {  	_ =	shalt  }

</sc_bundles>
